<compile_context>
chip_gen: v7x
topology: tpu7x:2x2x1
jax: 0.10.2.dev20260603
libtpu: 0.0.44.dev20260713+nightly
codegen_flags: <defaults>
</compile_context>

<pallas_src>
import functools

import jax
import jax.numpy as jnp
from jax import lax
from jax.experimental import pallas as pl
from jax.experimental.pallas import tpu as pltpu
from jax.experimental.pallas import tpu_sc as plsc

N = 10000
D = 128
DH = 64
CW = 16
E = 320000
NC = 2
NS = 16
CHUNK = 64
NCH = 314
EPAD = NS * NCH * CHUNK
NPAD = 10240
RPS = NPAD // NS
NBUF = 8
LAG = 4


@functools.partial(
    pl.kernel,
    out_type=jax.ShapeDtypeStruct((NC, NPAD, DH + CW), jnp.float32),
    mesh=plsc.VectorSubcoreMesh(core_axis_name="c", subcore_axis_name="s"),
    compiler_params=pltpu.CompilerParams(use_tc_tiling_on_sc=False),
    scratch_types=[
        pltpu.VMEM((NCH, CHUNK), jnp.int32),
        pltpu.VMEM((NCH, CHUNK), jnp.int32),
        pltpu.VMEM((NBUF, CHUNK, DH), jnp.float32),
        pltpu.VMEM((CHUNK, CW), jnp.float32),
        pltpu.VMEM((CHUNK, CW), jnp.float32),
        pltpu.VMEM_SHARED((NPAD, DH), jnp.float32),
        pltpu.VMEM_SHARED((NPAD, CW), jnp.float32),
        pltpu.SemaphoreType.DMA,
        pltpu.SemaphoreType.DMA,
        pltpu.SemaphoreType.DMA,
    ],
)
def _sc_aggregate(srcidx, dstidx, xflat, out_fc, src_v, dst_v, ring,
                  ones_v, zero_v, acc_f, acc_c, gsem, ssem, csem):
    cid = lax.axis_index("c")
    sid = lax.axis_index("s")

    zv = jnp.zeros((16,), jnp.float32)
    ov = jnp.ones((16,), jnp.float32)

    def zrow(i, carry):
        for k in range(DH // 16):
            ring[0, i, pl.ds(k * 16, 16)] = zv
        ones_v[i, pl.ds(0, 16)] = ov
        zero_v[i, pl.ds(0, 16)] = zv
        return carry

    lax.fori_loop(0, CHUNK, zrow, 0)
    for k in range(RPS // CHUNK):
        pltpu.sync_copy(ring.at[0],
                        acc_f.at[pl.ds(sid * RPS + k * CHUNK, CHUNK)])
        pltpu.sync_copy(zero_v,
                        acc_c.at[pl.ds(sid * RPS + k * CHUNK, CHUNK)])
    plsc.subcore_barrier()

    pltpu.sync_copy(srcidx.at[sid], src_v)
    pltpu.sync_copy(dstidx.at[sid], dst_v)
    xp = xflat.at[pl.ds(cid, 2 * N - 1)]

    def chunk(j, carry):
        b = lax.rem(j, NBUF)

        @pl.when(j < NCH)
        def _():
            @pl.when(j >= NBUF)
            def _():
                pltpu.make_async_copy(ring.at[b],
                                      acc_f.at[pl.ds(0, CHUNK)],
                                      ssem).wait()

            pltpu.async_copy(xp.at[src_v.at[j]], ring.at[b], gsem)

        d = j - LAG

        @pl.when(d >= 0)
        def _():
            db = lax.rem(d, NBUF)
            pltpu.make_async_copy(xp.at[pl.ds(0, CHUNK)], ring.at[db],
                                  gsem).wait()
            pltpu.async_copy(ring.at[db], acc_f.at[dst_v.at[d]], ssem,
                             add=True)

            @pl.when(cid == lax.rem(d, 2))
            def _():
                @pl.when(d >= 2)
                def _():
                    pltpu.make_async_copy(ones_v, acc_c.at[pl.ds(0, CHUNK)],
                                          csem).wait()

                pltpu.async_copy(ones_v, acc_c.at[dst_v.at[d]], csem,
                                 add=True)
        return carry

    lax.fori_loop(0, NCH + LAG, chunk, 0)

    for _ in range(NBUF):
        pltpu.make_async_copy(ring.at[0], acc_f.at[pl.ds(0, CHUNK)],
                              ssem).wait()
    pltpu.make_async_copy(ones_v, acc_c.at[pl.ds(0, CHUNK)], csem).wait()

    plsc.subcore_barrier()
    pltpu.sync_copy(acc_f.at[pl.ds(sid * RPS, RPS)],
                    out_fc.at[cid, pl.ds(sid * RPS, RPS), pl.ds(0, DH)])
    pltpu.sync_copy(acc_c.at[pl.ds(sid * RPS, RPS)],
                    out_fc.at[cid, pl.ds(sid * RPS, RPS), pl.ds(DH, CW)])


def _tc_body(a0, a1, xr, wl_lo, wl_hi, wr, wo, bl, bo, out):
    cnt = a0[0, :, DH:DH + 1] + a1[0, :, DH:DH + 1]
    inv = 1.0 / jnp.maximum(cnt, 1.0)
    mean_l = a0[0, :, :DH] * inv
    mean_h = a1[0, :, :DH] * inv
    dn = (((1,), (1,)), ((), ()))
    h = lax.dot_general(mean_l, wl_lo[...], dn,
                        preferred_element_type=jnp.float32)
    h = h + lax.dot_general(mean_h, wl_hi[...], dn,
                            preferred_element_type=jnp.float32)
    h = h + lax.dot_general(xr[...], wr[...], dn,
                            preferred_element_type=jnp.float32)
    h = jnp.maximum(h + bl[...], 0.0)
    o = lax.dot_general(h, wo[...], dn, preferred_element_type=jnp.float32)
    out[...] = o + bo[...]


def _tc_dense(agg, xr, wl_lo, wl_hi, wr, wo, bl, bo):
    blk = 1000
    return pl.pallas_call(
        _tc_body,
        grid=(N // blk,),
        in_specs=[
            pl.BlockSpec((1, blk, DH + CW), lambda i: (0, i, 0)),
            pl.BlockSpec((1, blk, DH + CW), lambda i: (1, i, 0)),
            pl.BlockSpec((blk, D), lambda i: (i, 0)),
            pl.BlockSpec((D, DH), lambda i: (0, 0)),
            pl.BlockSpec((D, DH), lambda i: (0, 0)),
            pl.BlockSpec((D, D), lambda i: (0, 0)),
            pl.BlockSpec((D, D), lambda i: (0, 0)),
            pl.BlockSpec((1, D), lambda i: (0, 0)),
            pl.BlockSpec((1, D), lambda i: (0, 0)),
        ],
        out_specs=pl.BlockSpec((blk, D), lambda i: (i, 0)),
        out_shape=jax.ShapeDtypeStruct((N, D), jnp.float32),
    )(agg, agg, xr, wl_lo, wl_hi, wr, wo, bl, bo)


def kernel(x_driver, x_race, x_circuit, edge_index_race_driver,
           edge_index_circuit_race, W_l0, b_l0, W_r0, W_l1, b_l1, W_r1,
           W_out, b_out):
    src = edge_index_circuit_race[0]
    dst = edge_index_circuit_race[1]
    pad = EPAD - E
    src_p = jnp.concatenate([src, jnp.zeros((pad,), jnp.int32)])
    dst_p = jnp.concatenate([dst, jnp.full((pad,), N, jnp.int32)])
    s2 = (src_p * 2).reshape(NS, NCH, CHUNK)
    agg = _sc_aggregate(s2, dst_p.reshape(NS, NCH, CHUNK),
                        x_circuit.reshape(2 * N, DH))
    out = _tc_dense(agg, x_race, W_l1[:, :DH], W_l1[:, DH:],
                    W_r1, W_out, b_l1.reshape(1, D), b_out.reshape(1, D))
    return out

# --- scband reference (transcript-rebuilt; emitter-appended) ---
"""Pipeline reference for scband-meta-path-gnn-sageconv-2430951489549 (READ-ONLY COPY).

The authoritative reference and input builder live on the scoring server;
editing this copy changes nothing except your own understanding.
"""

import jax, jax.numpy as jnp
import numpy as np

N = 10000
E = 320000
D = 128
H = 128
O = 128


def _sage_conv(x_src, x_dst, edge_index, W_l, b_l, W_r):
    # PyG SAGEConv with (in_src, in_dst) bipartite input, aggr='mean',
    # root_weight=True, normalize=False, project=False:
    #   out = lin_l(mean_j x_src[j]) + lin_r(x_dst)   (bias lives in lin_l)
    src = edge_index[0]
    dst = edge_index[1]
    msgs = jnp.take(x_src, src, axis=0)
    n_dst = x_dst.shape[0]
    agg = jax.ops.segment_sum(msgs, dst, num_segments=n_dst)
    cnt = jax.ops.segment_sum(jnp.ones((msgs.shape[0],), x_src.dtype), dst, num_segments=n_dst)
    mean = agg / jnp.clip(cnt, 1.0, None)[:, None]
    return mean @ W_l.T + b_l + x_dst @ W_r.T


def setup_inputs(seed: int = 0):
    key = jax.random.key(seed)
    ks = jax.random.split(key, 10)
    s = 1.0 / np.sqrt(D)
    return {
        "x_driver": jax.random.normal(ks[0], (N, D), jnp.float32),
        "x_race": jax.random.normal(ks[1], (N, D), jnp.float32),
        "x_circuit": jax.random.normal(ks[2], (N, D), jnp.float32),
        "edge_index_race_driver": jax.random.randint(ks[3], (2, E), 0, N, dtype=jnp.int32),
        "edge_index_circuit_race": jax.random.randint(ks[4], (2, E), 0, N, dtype=jnp.int32),
        "W_l0": jax.random.normal(ks[5], (H, D), jnp.float32) * s,
        "b_l0": jnp.zeros((H,), jnp.float32),
        "W_r0": jax.random.normal(ks[6], (H, D), jnp.float32) * s,
        "W_l1": jax.random.normal(ks[7], (H, D), jnp.float32) * s,
        "b_l1": jnp.zeros((H,), jnp.float32),
        "W_r1": jax.random.normal(ks[8], (H, D), jnp.float32) * s,
        "W_out": jax.random.normal(ks[9], (O, H), jnp.float32) * (1.0 / np.sqrt(H)),
        "b_out": jnp.zeros((O,), jnp.float32),
    }


def reference(x_driver, x_race, x_circuit, edge_index_race_driver, edge_index_circuit_race,
              W_l0, b_l0, W_r0, W_l1, b_l1, W_r1, W_out, b_out):
    # metapath = [("race","to_driver","driver"), ("circuit","to_race","race")]
    # loop over reversed(metapath):
    # i=0 -> ("circuit","to_race","race"), conv_idx=1: race aggregates circuit
    h_race = jax.nn.relu(_sage_conv(x_circuit, x_race, edge_index_circuit_race, W_l1, b_l1, W_r1))
    # i=1 -> ("race","to_driver","driver"), conv_idx=0: driver aggregates updated race
    h_driver = jax.nn.relu(_sage_conv(h_race, x_driver, edge_index_race_driver, W_l0, b_l0, W_r0))
    # start_type = metapath[0][0] = "race"
    out = h_race @ W_out.T + b_out
    return out

if __name__ == "__main__":
    import jax
    _d = setup_inputs()
    print(jax.jit(kernel)(*tuple(_d.values())))

</pallas_src>

<mosaic_0001>
#map = affine_map<(d0, d1) -> (0, 0, 0)>
#map1 = affine_map<(d0, d1) -> (0, 0)>
module attributes {stable_mosaic.version = 14 : i64} {
  func.func @_sc_aggregate(%arg0: i32, %arg1: i32, %arg2: memref<16x314x64xi32, #tpu.memory_space<hbm>>, %arg3: memref<16x314x64xi32, #tpu.memory_space<hbm>>, %arg4: memref<20000x64xf32, #tpu.memory_space<hbm>>, %arg5: memref<2x10240x80xf32, #tpu.memory_space<hbm>>, %arg6: memref<314x64xi32, #tpu.memory_space<vmem>>, %arg7: memref<314x64xi32, #tpu.memory_space<vmem>>, %arg8: memref<8x64x64xf32, #tpu.memory_space<vmem>>, %arg9: memref<64x16xf32, #tpu.memory_space<vmem>>, %arg10: memref<64x16xf32, #tpu.memory_space<vmem>>, %arg11: memref<10240x64xf32, #tpu.memory_space<vmem_shared>>, %arg12: memref<10240x16xf32, #tpu.memory_space<vmem_shared>>, %arg13: memref<!tpu.dma_semaphore, #tpu.memory_space<semaphore_mem>>, %arg14: memref<!tpu.dma_semaphore, #tpu.memory_space<semaphore_mem>>, %arg15: memref<!tpu.dma_semaphore, #tpu.memory_space<semaphore_mem>>) attributes {dimension_semantics = [#tpu.dimension_semantics<core_parallel>, #tpu.dimension_semantics<subcore_parallel>], iteration_bounds = array<i64: 2, 16>, scalar_prefetch = 0 : i64, scratch_operands = 10 : i64, tpu.core_type = #tpu.core_type<sc_vector_subcore>, window_params = [{transform_indices = #map}, {transform_indices = #map}, {transform_indices = #map1}, {transform_indices = #map}]} {
    %broadcast_in_dim3A = arith.constant 0.000000e+00 : f32
    %broadcast_in_dim3A_0 = vector.broadcast %broadcast_in_dim3A : f32 to vector<16xf32>
    %broadcast_in_dim3A_1 = arith.constant 1.000000e+00 : f32
    %broadcast_in_dim3A_2 = vector.broadcast %broadcast_in_dim3A_1 : f32 to vector<16xf32>
    %scan3A = arith.constant 0 : i32
    %scan3A_3 = arith.constant 0 : i32
    %scan3A_4 = arith.constant 64 : i32
    %scan3A_5 = arith.addi %scan3A_3, %scan3A_4 : i32
    %scan3A_6 = arith.constant 1 : i32
    scf.for %scan3A_235 = %scan3A_3 to %scan3A_5 step %scan3A_6  : i32 {
      %swap3A = arith.constant 0 : i32
      %swap3A_236 = arith.index_cast %swap3A : i32 to index
      %swap3A_237 = arith.index_cast %scan3A_235 : i32 to index
      %swap3A_238 = arith.constant 0 : index
      %swap3A_239 = tpu.vector_load %arg8[%swap3A_236, %swap3A_237, %swap3A_238] {strides = array<i32>} : memref<8x64x64xf32, #tpu.memory_space<vmem>>, vector<1x1x16xf32>,
      %swap3A_240 = vector.shape_cast %swap3A_239 : vector<1x1x16xf32> to vector<16xf32>
      %swap3A_241 = vector.shape_cast %broadcast_in_dim3A_0 : vector<16xf32> to vector<1x1x16xf32>
      tpu.vector_store %arg8[%swap3A_236, %swap3A_237, %swap3A_238], %swap3A_241 {strides = array<i32>} : memref<8x64x64xf32, #tpu.memory_space<vmem>>, vector<1x1x16xf32>,
      %swap3A_242 = arith.constant 0 : i32
      %swap3A_243 = arith.index_cast %swap3A_242 : i32 to index
      %swap3A_244 = arith.index_cast %scan3A_235 : i32 to index
      %swap3A_245 = arith.constant 16 : index
      %swap3A_246 = tpu.vector_load %arg8[%swap3A_243, %swap3A_244, %swap3A_245] {strides = array<i32>} : memref<8x64x64xf32, #tpu.memory_space<vmem>>, vector<1x1x16xf32>,
      %swap3A_247 = vector.shape_cast %swap3A_246 : vector<1x1x16xf32> to vector<16xf32>
      %swap3A_248 = vector.shape_cast %broadcast_in_dim3A_0 : vector<16xf32> to vector<1x1x16xf32>
      tpu.vector_store %arg8[%swap3A_243, %swap3A_244, %swap3A_245], %swap3A_248 {strides = array<i32>} : memref<8x64x64xf32, #tpu.memory_space<vmem>>, vector<1x1x16xf32>,
      %swap3A_249 = arith.constant 0 : i32
      %swap3A_250 = arith.index_cast %swap3A_249 : i32 to index
      %swap3A_251 = arith.index_cast %scan3A_235 : i32 to index
      %swap3A_252 = arith.constant 32 : index
      %swap3A_253 = tpu.vector_load %arg8[%swap3A_250, %swap3A_251, %swap3A_252] {strides = array<i32>} : memref<8x64x64xf32, #tpu.memory_space<vmem>>, vector<1x1x16xf32>,
      %swap3A_254 = vector.shape_cast %swap3A_253 : vector<1x1x16xf32> to vector<16xf32>
      %swap3A_255 = vector.shape_cast %broadcast_in_dim3A_0 : vector<16xf32> to vector<1x1x16xf32>
      tpu.vector_store %arg8[%swap3A_250, %swap3A_251, %swap3A_252], %swap3A_255 {strides = array<i32>} : memref<8x64x64xf32, #tpu.memory_space<vmem>>, vector<1x1x16xf32>,
      %swap3A_256 = arith.constant 0 : i32
      %swap3A_257 = arith.index_cast %swap3A_256 : i32 to index
      %swap3A_258 = arith.index_cast %scan3A_235 : i32 to index
      %swap3A_259 = arith.constant 48 : index
      %swap3A_260 = tpu.vector_load %arg8[%swap3A_257, %swap3A_258, %swap3A_259] {strides = array<i32>} : memref<8x64x64xf32, #tpu.memory_space<vmem>>, vector<1x1x16xf32>,
      %swap3A_261 = vector.shape_cast %swap3A_260 : vector<1x1x16xf32> to vector<16xf32>
      %swap3A_262 = vector.shape_cast %broadcast_in_dim3A_0 : vector<16xf32> to vector<1x1x16xf32>
      tpu.vector_store %arg8[%swap3A_257, %swap3A_258, %swap3A_259], %swap3A_262 {strides = array<i32>} : memref<8x64x64xf32, #tpu.memory_space<vmem>>, vector<1x1x16xf32>,
      %swap3A_263 = arith.index_cast %scan3A_235 : i32 to index
      %swap3A_264 = arith.constant 0 : index
      %swap3A_265 = tpu.vector_load %arg9[%swap3A_263, %swap3A_264] {strides = array<i32>} : memref<64x16xf32, #tpu.memory_space<vmem>>, vector<1x16xf32>,
      %swap3A_266 = vector.shape_cast %swap3A_265 : vector<1x16xf32> to vector<16xf32>
      %swap3A_267 = vector.shape_cast %broadcast_in_dim3A_2 : vector<16xf32> to vector<1x16xf32>
      tpu.vector_store %arg9[%swap3A_263, %swap3A_264], %swap3A_267 {strides = array<i32>} : memref<64x16xf32, #tpu.memory_space<vmem>>, vector<1x16xf32>,
      %swap3A_268 = arith.index_cast %scan3A_235 : i32 to index
      %swap3A_269 = arith.constant 0 : index
      %swap3A_270 = tpu.vector_load %arg10[%swap3A_268, %swap3A_269] {strides = array<i32>} : memref<64x16xf32, #tpu.memory_space<vmem>>, vector<1x16xf32>,
      %swap3A_271 = vector.shape_cast %swap3A_270 : vector<1x16xf32> to vector<16xf32>
      %swap3A_272 = vector.shape_cast %broadcast_in_dim3A_0 : vector<16xf32> to vector<1x16xf32>
      tpu.vector_store %arg10[%swap3A_268, %swap3A_269], %swap3A_272 {strides = array<i32>} : memref<64x16xf32, #tpu.memory_space<vmem>>, vector<1x16xf32>,
    }
    %scan3A_7 = arith.constant 64 : i32
    %mul3A = arith.constant 640 : i32
    %mul3A_8 = arith.muli %arg1, %mul3A : i32
    %add3A = arith.constant 0 : i32
    %add3A_9 = arith.addi %mul3A_8, %add3A : i32
    %run_scoped3A = arith.constant 0 : i32
    "tpu.region"() ({
      %run_scoped3A_235 = tpu.sem_alloc : memref<!tpu.dma_semaphore, #tpu.memory_space<semaphore_mem>>
      %dma_start3A = arith.constant 0 : i32
      %dma_start3A_236 = arith.constant 0 : i32
      %dma_start3A_237 = tpu.memref_slice %arg8[%run_scoped3A, %dma_start3A, %dma_start3A_236] : memref<8x64x64xf32, #tpu.memory_space<vmem>> -> memref<1x64x64xf32, #tpu.memory_space<vmem>>
      %dma_start3A_238 = tpu.memref_squeeze %dma_start3A_237 : memref<1x64x64xf32, #tpu.memory_space<vmem>> -> memref<64x64xf32, #tpu.memory_space<vmem>>
      %dma_start3A_239 = arith.constant 0 : i32
      %dma_start3A_240 = tpu.memref_slice %arg11[%add3A_9, %dma_start3A_239] : memref<10240x64xf32, #tpu.memory_space<vmem_shared>> -> memref<64x64xf32, #tpu.memory_space<vmem_shared>>
      %dma_start3A_241 = arith.constant 0 : i32
      %dma_start3A_242 = tpu.memref_slice %arg11[%add3A_9, %dma_start3A_241] : memref<10240x64xf32, #tpu.memory_space<vmem_shared>> -> memref<64x64xf32, #tpu.memory_space<vmem_shared>>
      %dma_start3A_243 = arith.constant 0 : i32
      %dma_start3A_244 = arith.constant 0 : i32
      %dma_start3A_245 = tpu.memref_slice %arg8[%run_scoped3A, %dma_start3A_243, %dma_start3A_244] : memref<8x64x64xf32, #tpu.memory_space<vmem>> -> memref<1x64x64xf32, #tpu.memory_space<vmem>>
      %dma_start3A_246 = tpu.memref_squeeze %dma_start3A_245 : memref<1x64x64xf32, #tpu.memory_space<vmem>> -> memref<64x64xf32, #tpu.memory_space<vmem>>
      tpu.enqueue_dma source(%dma_start3A_246 : memref<64x64xf32, #tpu.memory_space<vmem>>) target(%dma_start3A_242 : memref<64x64xf32, #tpu.memory_space<vmem_shared>>) target_semaphore(%run_scoped3A_235 : memref<!tpu.dma_semaphore, #tpu.memory_space<semaphore_mem>>)
      %dma_wait3A_247 = arith.constant 0 : i32
      %dma_wait3A_248 = arith.constant 0 : i32
      %dma_wait3A_249 = tpu.memref_slice %arg8[%run_scoped3A, %dma_wait3A_247, %dma_wait3A_248] : memref<8x64x64xf32, #tpu.memory_space<vmem>> -> memref<1x64x64xf32, #tpu.memory_space<vmem>>
      %dma_wait3A_250 = tpu.memref_squeeze %dma_wait3A_249 : memref<1x64x64xf32, #tpu.memory_space<vmem>> -> memref<64x64xf32, #tpu.memory_space<vmem>>
      %dma_wait3A_251 = arith.constant 0 : i32
      %dma_wait3A_252 = tpu.memref_slice %arg11[%add3A_9, %dma_wait3A_251] : memref<10240x64xf32, #tpu.memory_space<vmem_shared>> -> memref<64x64xf32, #tpu.memory_space<vmem_shared>>
      %dma_wait3A_253 = arith.constant 0 : i32
      %dma_wait3A_254 = tpu.memref_slice %arg11[%add3A_9, %dma_wait3A_253] : memref<10240x64xf32, #tpu.memory_space<vmem_shared>> -> memref<64x64xf32, #tpu.memory_space<vmem_shared>>
      %dma_wait3A_255 = arith.constant 0 : i32
      %dma_wait3A_256 = arith.constant 0 : i32
      %dma_wait3A_257 = tpu.memref_slice %arg8[%run_scoped3A, %dma_wait3A_255, %dma_wait3A_256] : memref<8x64x64xf32, #tpu.memory_space<vmem>> -> memref<1x64x64xf32, #tpu.memory_space<vmem>>
      %dma_wait3A_258 = tpu.memref_squeeze %dma_wait3A_257 : memref<1x64x64xf32, #tpu.memory_space<vmem>> -> memref<64x64xf32, #tpu.memory_space<vmem>>
      tpu.wait_dma2 semaphore(%run_scoped3A_235 : memref<!tpu.dma_semaphore, #tpu.memory_space<semaphore_mem>>) src(%dma_wait3A_258 : memref<64x64xf32, #tpu.memory_space<vmem>>) dst(%dma_wait3A_254 : memref<64x64xf32, #tpu.memory_space<vmem_shared>>)
      tpu.yield
    }) : () -> ()
    %mul3A_10 = arith.constant 640 : i32
    %mul3A_11 = arith.muli %arg1, %mul3A_10 : i32
    %add3A_12 = arith.constant 0 : i32
    %add3A_13 = arith.addi %mul3A_11, %add3A_12 : i32
    "tpu.region"() ({
      %run_scoped3A_235 = tpu.sem_alloc : memref<!tpu.dma_semaphore, #tpu.memory_space<semaphore_mem>>
      %dma_start3A = arith.constant 0 : i32
      %dma_start3A_236 = tpu.memref_slice %arg12[%add3A_13, %dma_start3A] : memref<10240x16xf32, #tpu.memory_space<vmem_shared>> -> memref<64x16xf32, #tpu.memory_space<vmem_shared>>
      %dma_start3A_237 = arith.constant 0 : i32
      %dma_start3A_238 = tpu.memref_slice %arg12[%add3A_13, %dma_start3A_237] : memref<10240x16xf32, #tpu.memory_space<vmem_shared>> -> memref<64x16xf32, #tpu.memory_space<vmem_shared>>
      tpu.enqueue_dma source(%arg10 : memref<64x16xf32, #tpu.memory_space<vmem>>) target(%dma_start3A_238 : memref<64x16xf32, #tpu.memory_space<vmem_shared>>) target_semaphore(%run_scoped3A_235 : memref<!tpu.dma_semaphore, #tpu.memory_space<semaphore_mem>>)
      %dma_wait3A_239 = arith.constant 0 : i32
      %dma_wait3A_240 = tpu.memref_slice %arg12[%add3A_13, %dma_wait3A_239] : memref<10240x16xf32, #tpu.memory_space<vmem_shared>> -> memref<64x16xf32, #tpu.memory_space<vmem_shared>>
      %dma_wait3A_241 = arith.constant 0 : i32
      %dma_wait3A_242 = tpu.memref_slice %arg12[%add3A_13, %dma_wait3A_241] : memref<10240x16xf32, #tpu.memory_space<vmem_shared>> -> memref<64x16xf32, #tpu.memory_space<vmem_shared>>
      tpu.wait_dma2 semaphore(%run_scoped3A_235 : memref<!tpu.dma_semaphore, #tpu.memory_space<semaphore_mem>>) src(%arg10 : memref<64x16xf32, #tpu.memory_space<vmem>>) dst(%dma_wait3A_242 : memref<64x16xf32, #tpu.memory_space<vmem_shared>>)
      tpu.yield
    }) : () -> ()
    %mul3A_14 = arith.constant 640 : i32
    %mul3A_15 = arith.muli %arg1, %mul3A_14 : i32
    %add3A_16 = arith.constant 64 : i32
    %add3A_17 = arith.addi %mul3A_15, %add3A_16 : i32
    %run_scoped3A_18 = arith.constant 0 : i32
    "tpu.region"() ({
      %run_scoped3A_235 = tpu.sem_alloc : memref<!tpu.dma_semaphore, #tpu.memory_space<semaphore_mem>>
      %dma_start3A = arith.constant 0 : i32
      %dma_start3A_236 = arith.constant 0 : i32
      %dma_start3A_237 = tpu.memref_slice %arg8[%run_scoped3A_18, %dma_start3A, %dma_start3A_236] : memref<8x64x64xf32, #tpu.memory_space<vmem>> -> memref<1x64x64xf32, #tpu.memory_space<vmem>>
      %dma_start3A_238 = tpu.memref_squeeze %dma_start3A_237 : memref<1x64x64xf32, #tpu.memory_space<vmem>> -> memref<64x64xf32, #tpu.memory_space<vmem>>
      %dma_start3A_239 = arith.constant 0 : i32
      %dma_start3A_240 = tpu.memref_slice %arg11[%add3A_17, %dma_start3A_239] : memref<10240x64xf32, #tpu.memory_space<vmem_shared>> -> memref<64x64xf32, #tpu.memory_space<vmem_shared>>
      %dma_start3A_241 = arith.constant 0 : i32
      %dma_start3A_242 = tpu.memref_slice %arg11[%add3A_17, %dma_start3A_241] : memref<10240x64xf32, #tpu.memory_space<vmem_shared>> -> memref<64x64xf32, #tpu.memory_space<vmem_shared>>
      %dma_start3A_243 = arith.constant 0 : i32
      %dma_start3A_244 = arith.constant 0 : i32
      %dma_start3A_245 = tpu.memref_slice %arg8[%run_scoped3A_18, %dma_start3A_243, %dma_start3A_244] : memref<8x64x64xf32, #tpu.memory_space<vmem>> -> memref<1x64x64xf32, #tpu.memory_space<vmem>>
      %dma_start3A_246 = tpu.memref_squeeze %dma_start3A_245 : memref<1x64x64xf32, #tpu.memory_space<vmem>> -> memref<64x64xf32, #tpu.memory_space<vmem>>
      tpu.enqueue_dma source(%dma_start3A_246 : memref<64x64xf32, #tpu.memory_space<vmem>>) target(%dma_start3A_242 : memref<64x64xf32, #tpu.memory_space<vmem_shared>>) target_semaphore(%run_scoped3A_235 : memref<!tpu.dma_semaphore, #tpu.memory_space<semaphore_mem>>)
      %dma_wait3A_247 = arith.constant 0 : i32
      %dma_wait3A_248 = arith.constant 0 : i32
      %dma_wait3A_249 = tpu.memref_slice %arg8[%run_scoped3A_18, %dma_wait3A_247, %dma_wait3A_248] : memref<8x64x64xf32, #tpu.memory_space<vmem>> -> memref<1x64x64xf32, #tpu.memory_space<vmem>>
      %dma_wait3A_250 = tpu.memref_squeeze %dma_wait3A_249 : memref<1x64x64xf32, #tpu.memory_space<vmem>> -> memref<64x64xf32, #tpu.memory_space<vmem>>
      %dma_wait3A_251 = arith.constant 0 : i32
      %dma_wait3A_252 = tpu.memref_slice %arg11[%add3A_17, %dma_wait3A_251] : memref<10240x64xf32, #tpu.memory_space<vmem_shared>> -> memref<64x64xf32, #tpu.memory_space<vmem_shared>>
      %dma_wait3A_253 = arith.constant 0 : i32
      %dma_wait3A_254 = tpu.memref_slice %arg11[%add3A_17, %dma_wait3A_253] : memref<10240x64xf32, #tpu.memory_space<vmem_shared>> -> memref<64x64xf32, #tpu.memory_space<vmem_shared>>
      %dma_wait3A_255 = arith.constant 0 : i32
      %dma_wait3A_256 = arith.constant 0 : i32
      %dma_wait3A_257 = tpu.memref_slice %arg8[%run_scoped3A_18, %dma_wait3A_255, %dma_wait3A_256] : memref<8x64x64xf32, #tpu.memory_space<vmem>> -> memref<1x64x64xf32, #tpu.memory_space<vmem>>
      %dma_wait3A_258 = tpu.memref_squeeze %dma_wait3A_257 : memref<1x64x64xf32, #tpu.memory_space<vmem>> -> memref<64x64xf32, #tpu.memory_space<vmem>>
      tpu.wait_dma2 semaphore(%run_scoped3A_235 : memref<!tpu.dma_semaphore, #tpu.memory_space<semaphore_mem>>) src(%dma_wait3A_258 : memref<64x64xf32, #tpu.memory_space<vmem>>) dst(%dma_wait3A_254 : memref<64x64xf32, #tpu.memory_space<vmem_shared>>)
      tpu.yield
    }) : () -> ()
    %mul3A_19 = arith.constant 640 : i32
    %mul3A_20 = arith.muli %arg1, %mul3A_19 : i32
    %add3A_21 = arith.constant 64 : i32
    %add3A_22 = arith.addi %mul3A_20, %add3A_21 : i32
    "tpu.region"() ({
      %run_scoped3A_235 = tpu.sem_alloc : memref<!tpu.dma_semaphore, #tpu.memory_space<semaphore_mem>>
      %dma_start3A = arith.constant 0 : i32
      %dma_start3A_236 = tpu.memref_slice %arg12[%add3A_22, %dma_start3A] : memref<10240x16xf32, #tpu.memory_space<vmem_shared>> -> memref<64x16xf32, #tpu.memory_space<vmem_shared>>
      %dma_start3A_237 = arith.constant 0 : i32
      %dma_start3A_238 = tpu.memref_slice %arg12[%add3A_22, %dma_start3A_237] : memref<10240x16xf32, #tpu.memory_space<vmem_shared>> -> memref<64x16xf32, #tpu.memory_space<vmem_shared>>
      tpu.enqueue_dma source(%arg10 : memref<64x16xf32, #tpu.memory_space<vmem>>) target(%dma_start3A_238 : memref<64x16xf32, #tpu.memory_space<vmem_shared>>) target_semaphore(%run_scoped3A_235 : memref<!tpu.dma_semaphore, #tpu.memory_space<semaphore_mem>>)
      %dma_wait3A_239 = arith.constant 0 : i32
      %dma_wait3A_240 = tpu.memref_slice %arg12[%add3A_22, %dma_wait3A_239] : memref<10240x16xf32, #tpu.memory_space<vmem_shared>> -> memref<64x16xf32, #tpu.memory_space<vmem_shared>>
      %dma_wait3A_241 = arith.constant 0 : i32
      %dma_wait3A_242 = tpu.memref_slice %arg12[%add3A_22, %dma_wait3A_241] : memref<10240x16xf32, #tpu.memory_space<vmem_shared>> -> memref<64x16xf32, #tpu.memory_space<vmem_shared>>
      tpu.wait_dma2 semaphore(%run_scoped3A_235 : memref<!tpu.dma_semaphore, #tpu.memory_space<semaphore_mem>>) src(%arg10 : memref<64x16xf32, #tpu.memory_space<vmem>>) dst(%dma_wait3A_242 : memref<64x16xf32, #tpu.memory_space<vmem_shared>>)
      tpu.yield
    }) : () -> ()
    %mul3A_23 = arith.constant 640 : i32
    %mul3A_24 = arith.muli %arg1, %mul3A_23 : i32
    %add3A_25 = arith.constant 128 : i32
    %add3A_26 = arith.addi %mul3A_24, %add3A_25 : i32
    %run_scoped3A_27 = arith.constant 0 : i32
    "tpu.region"() ({
      %run_scoped3A_235 = tpu.sem_alloc : memref<!tpu.dma_semaphore, #tpu.memory_space<semaphore_mem>>
      %dma_start3A = arith.constant 0 : i32
      %dma_start3A_236 = arith.constant 0 : i32
      %dma_start3A_237 = tpu.memref_slice %arg8[%run_scoped3A_27, %dma_start3A, %dma_start3A_236] : memref<8x64x64xf32, #tpu.memory_space<vmem>> -> memref<1x64x64xf32, #tpu.memory_space<vmem>>
      %dma_start3A_238 = tpu.memref_squeeze %dma_start3A_237 : memref<1x64x64xf32, #tpu.memory_space<vmem>> -> memref<64x64xf32, #tpu.memory_space<vmem>>
      %dma_start3A_239 = arith.constant 0 : i32
      %dma_start3A_240 = tpu.memref_slice %arg11[%add3A_26, %dma_start3A_239] : memref<10240x64xf32, #tpu.memory_space<vmem_shared>> -> memref<64x64xf32, #tpu.memory_space<vmem_shared>>
      %dma_start3A_241 = arith.constant 0 : i32
      %dma_start3A_242 = tpu.memref_slice %arg11[%add3A_26, %dma_start3A_241] : memref<10240x64xf32, #tpu.memory_space<vmem_shared>> -> memref<64x64xf32, #tpu.memory_space<vmem_shared>>
      %dma_start3A_243 = arith.constant 0 : i32
      %dma_start3A_244 = arith.constant 0 : i32
      %dma_start3A_245 = tpu.memref_slice %arg8[%run_scoped3A_27, %dma_start3A_243, %dma_start3A_244] : memref<8x64x64xf32, #tpu.memory_space<vmem>> -> memref<1x64x64xf32, #tpu.memory_space<vmem>>
      %dma_start3A_246 = tpu.memref_squeeze %dma_start3A_245 : memref<1x64x64xf32, #tpu.memory_space<vmem>> -> memref<64x64xf32, #tpu.memory_space<vmem>>
      tpu.enqueue_dma source(%dma_start3A_246 : memref<64x64xf32, #tpu.memory_space<vmem>>) target(%dma_start3A_242 : memref<64x64xf32, #tpu.memory_space<vmem_shared>>) target_semaphore(%run_scoped3A_235 : memref<!tpu.dma_semaphore, #tpu.memory_space<semaphore_mem>>)
      %dma_wait3A_247 = arith.constant 0 : i32
      %dma_wait3A_248 = arith.constant 0 : i32
      %dma_wait3A_249 = tpu.memref_slice %arg8[%run_scoped3A_27, %dma_wait3A_247, %dma_wait3A_248] : memref<8x64x64xf32, #tpu.memory_space<vmem>> -> memref<1x64x64xf32, #tpu.memory_space<vmem>>
      %dma_wait3A_250 = tpu.memref_squeeze %dma_wait3A_249 : memref<1x64x64xf32, #tpu.memory_space<vmem>> -> memref<64x64xf32, #tpu.memory_space<vmem>>
      %dma_wait3A_251 = arith.constant 0 : i32
      %dma_wait3A_252 = tpu.memref_slice %arg11[%add3A_26, %dma_wait3A_251] : memref<10240x64xf32, #tpu.memory_space<vmem_shared>> -> memref<64x64xf32, #tpu.memory_space<vmem_shared>>
      %dma_wait3A_253 = arith.constant 0 : i32
      %dma_wait3A_254 = tpu.memref_slice %arg11[%add3A_26, %dma_wait3A_253] : memref<10240x64xf32, #tpu.memory_space<vmem_shared>> -> memref<64x64xf32, #tpu.memory_space<vmem_shared>>
      %dma_wait3A_255 = arith.constant 0 : i32
      %dma_wait3A_256 = arith.constant 0 : i32
      %dma_wait3A_257 = tpu.memref_slice %arg8[%run_scoped3A_27, %dma_wait3A_255, %dma_wait3A_256] : memref<8x64x64xf32, #tpu.memory_space<vmem>> -> memref<1x64x64xf32, #tpu.memory_space<vmem>>
      %dma_wait3A_258 = tpu.memref_squeeze %dma_wait3A_257 : memref<1x64x64xf32, #tpu.memory_space<vmem>> -> memref<64x64xf32, #tpu.memory_space<vmem>>
      tpu.wait_dma2 semaphore(%run_scoped3A_235 : memref<!tpu.dma_semaphore, #tpu.memory_space<semaphore_mem>>) src(%dma_wait3A_258 : memref<64x64xf32, #tpu.memory_space<vmem>>) dst(%dma_wait3A_254 : memref<64x64xf32, #tpu.memory_space<vmem_shared>>)
      tpu.yield
    }) : () -> ()
    %mul3A_28 = arith.constant 640 : i32
    %mul3A_29 = arith.muli %arg1, %mul3A_28 : i32
    %add3A_30 = arith.constant 128 : i32
    %add3A_31 = arith.addi %mul3A_29, %add3A_30 : i32
    "tpu.region"() ({
      %run_scoped3A_235 = tpu.sem_alloc : memref<!tpu.dma_semaphore, #tpu.memory_space<semaphore_mem>>
      %dma_start3A = arith.constant 0 : i32
      %dma_start3A_236 = tpu.memref_slice %arg12[%add3A_31, %dma_start3A] : memref<10240x16xf32, #tpu.memory_space<vmem_shared>> -> memref<64x16xf32, #tpu.memory_space<vmem_shared>>
      %dma_start3A_237 = arith.constant 0 : i32
      %dma_start3A_238 = tpu.memref_slice %arg12[%add3A_31, %dma_start3A_237] : memref<10240x16xf32, #tpu.memory_space<vmem_shared>> -> memref<64x16xf32, #tpu.memory_space<vmem_shared>>
      tpu.enqueue_dma source(%arg10 : memref<64x16xf32, #tpu.memory_space<vmem>>) target(%dma_start3A_238 : memref<64x16xf32, #tpu.memory_space<vmem_shared>>) target_semaphore(%run_scoped3A_235 : memref<!tpu.dma_semaphore, #tpu.memory_space<semaphore_mem>>)
      %dma_wait3A_239 = arith.constant 0 : i32
      %dma_wait3A_240 = tpu.memref_slice %arg12[%add3A_31, %dma_wait3A_239] : memref<10240x16xf32, #tpu.memory_space<vmem_shared>> -> memref<64x16xf32, #tpu.memory_space<vmem_shared>>
      %dma_wait3A_241 = arith.constant 0 : i32
      %dma_wait3A_242 = tpu.memref_slice %arg12[%add3A_31, %dma_wait3A_241] : memref<10240x16xf32, #tpu.memory_space<vmem_shared>> -> memref<64x16xf32, #tpu.memory_space<vmem_shared>>
      tpu.wait_dma2 semaphore(%run_scoped3A_235 : memref<!tpu.dma_semaphore, #tpu.memory_space<semaphore_mem>>) src(%arg10 : memref<64x16xf32, #tpu.memory_space<vmem>>) dst(%dma_wait3A_242 : memref<64x16xf32, #tpu.memory_space<vmem_shared>>)
      tpu.yield
    }) : () -> ()
    %mul3A_32 = arith.constant 640 : i32
    %mul3A_33 = arith.muli %arg1, %mul3A_32 : i32
    %add3A_34 = arith.constant 192 : i32
    %add3A_35 = arith.addi %mul3A_33, %add3A_34 : i32
    %run_scoped3A_36 = arith.constant 0 : i32
    "tpu.region"() ({
      %run_scoped3A_235 = tpu.sem_alloc : memref<!tpu.dma_semaphore, #tpu.memory_space<semaphore_mem>>
      %dma_start3A = arith.constant 0 : i32
      %dma_start3A_236 = arith.constant 0 : i32
      %dma_start3A_237 = tpu.memref_slice %arg8[%run_scoped3A_36, %dma_start3A, %dma_start3A_236] : memref<8x64x64xf32, #tpu.memory_space<vmem>> -> memref<1x64x64xf32, #tpu.memory_space<vmem>>
      %dma_start3A_238 = tpu.memref_squeeze %dma_start3A_237 : memref<1x64x64xf32, #tpu.memory_space<vmem>> -> memref<64x64xf32, #tpu.memory_space<vmem>>
      %dma_start3A_239 = arith.constant 0 : i32
      %dma_start3A_240 = tpu.memref_slice %arg11[%add3A_35, %dma_start3A_239] : memref<10240x64xf32, #tpu.memory_space<vmem_shared>> -> memref<64x64xf32, #tpu.memory_space<vmem_shared>>
      %dma_start3A_241 = arith.constant 0 : i32
      %dma_start3A_242 = tpu.memref_slice %arg11[%add3A_35, %dma_start3A_241] : memref<10240x64xf32, #tpu.memory_space<vmem_shared>> -> memref<64x64xf32, #tpu.memory_space<vmem_shared>>
      %dma_start3A_243 = arith.constant 0 : i32
      %dma_start3A_244 = arith.constant 0 : i32
      %dma_start3A_245 = tpu.memref_slice %arg8[%run_scoped3A_36, %dma_start3A_243, %dma_start3A_244] : memref<8x64x64xf32, #tpu.memory_space<vmem>> -> memref<1x64x64xf32, #tpu.memory_space<vmem>>
      %dma_start3A_246 = tpu.memref_squeeze %dma_start3A_245 : memref<1x64x64xf32, #tpu.memory_space<vmem>> -> memref<64x64xf32, #tpu.memory_space<vmem>>
      tpu.enqueue_dma source(%dma_start3A_246 : memref<64x64xf32, #tpu.memory_space<vmem>>) target(%dma_start3A_242 : memref<64x64xf32, #tpu.memory_space<vmem_shared>>) target_semaphore(%run_scoped3A_235 : memref<!tpu.dma_semaphore, #tpu.memory_space<semaphore_mem>>)
      %dma_wait3A_247 = arith.constant 0 : i32
      %dma_wait3A_248 = arith.constant 0 : i32
      %dma_wait3A_249 = tpu.memref_slice %arg8[%run_scoped3A_36, %dma_wait3A_247, %dma_wait3A_248] : memref<8x64x64xf32, #tpu.memory_space<vmem>> -> memref<1x64x64xf32, #tpu.memory_space<vmem>>
      %dma_wait3A_250 = tpu.memref_squeeze %dma_wait3A_249 : memref<1x64x64xf32, #tpu.memory_space<vmem>> -> memref<64x64xf32, #tpu.memory_space<vmem>>
      %dma_wait3A_251 = arith.constant 0 : i32
      %dma_wait3A_252 = tpu.memref_slice %arg11[%add3A_35, %dma_wait3A_251] : memref<10240x64xf32, #tpu.memory_space<vmem_shared>> -> memref<64x64xf32, #tpu.memory_space<vmem_shared>>
      %dma_wait3A_253 = arith.constant 0 : i32
      %dma_wait3A_254 = tpu.memref_slice %arg11[%add3A_35, %dma_wait3A_253] : memref<10240x64xf32, #tpu.memory_space<vmem_shared>> -> memref<64x64xf32, #tpu.memory_space<vmem_shared>>
      %dma_wait3A_255 = arith.constant 0 : i32
      %dma_wait3A_256 = arith.constant 0 : i32
      %dma_wait3A_257 = tpu.memref_slice %arg8[%run_scoped3A_36, %dma_wait3A_255, %dma_wait3A_256] : memref<8x64x64xf32, #tpu.memory_space<vmem>> -> memref<1x64x64xf32, #tpu.memory_space<vmem>>
      %dma_wait3A_258 = tpu.memref_squeeze %dma_wait3A_257 : memref<1x64x64xf32, #tpu.memory_space<vmem>> -> memref<64x64xf32, #tpu.memory_space<vmem>>
      tpu.wait_dma2 semaphore(%run_scoped3A_235 : memref<!tpu.dma_semaphore, #tpu.memory_space<semaphore_mem>>) src(%dma_wait3A_258 : memref<64x64xf32, #tpu.memory_space<vmem>>) dst(%dma_wait3A_254 : memref<64x64xf32, #tpu.memory_space<vmem_shared>>)
      tpu.yield
    }) : () -> ()
    %mul3A_37 = arith.constant 640 : i32
    %mul3A_38 = arith.muli %arg1, %mul3A_37 : i32
    %add3A_39 = arith.constant 192 : i32
    %add3A_40 = arith.addi %mul3A_38, %add3A_39 : i32
    "tpu.region"() ({
      %run_scoped3A_235 = tpu.sem_alloc : memref<!tpu.dma_semaphore, #tpu.memory_space<semaphore_mem>>
      %dma_start3A = arith.constant 0 : i32
      %dma_start3A_236 = tpu.memref_slice %arg12[%add3A_40, %dma_start3A] : memref<10240x16xf32, #tpu.memory_space<vmem_shared>> -> memref<64x16xf32, #tpu.memory_space<vmem_shared>>
      %dma_start3A_237 = arith.constant 0 : i32
      %dma_start3A_238 = tpu.memref_slice %arg12[%add3A_40, %dma_start3A_237] : memref<10240x16xf32, #tpu.memory_space<vmem_shared>> -> memref<64x16xf32, #tpu.memory_space<vmem_shared>>
      tpu.enqueue_dma source(%arg10 : memref<64x16xf32, #tpu.memory_space<vmem>>) target(%dma_start3A_238 : memref<64x16xf32, #tpu.memory_space<vmem_shared>>) target_semaphore(%run_scoped3A_235 : memref<!tpu.dma_semaphore, #tpu.memory_space<semaphore_mem>>)
      %dma_wait3A_239 = arith.constant 0 : i32
      %dma_wait3A_240 = tpu.memref_slice %arg12[%add3A_40, %dma_wait3A_239] : memref<10240x16xf32, #tpu.memory_space<vmem_shared>> -> memref<64x16xf32, #tpu.memory_space<vmem_shared>>
      %dma_wait3A_241 = arith.constant 0 : i32
      %dma_wait3A_242 = tpu.memref_slice %arg12[%add3A_40, %dma_wait3A_241] : memref<10240x16xf32, #tpu.memory_space<vmem_shared>> -> memref<64x16xf32, #tpu.memory_space<vmem_shared>>
      tpu.wait_dma2 semaphore(%run_scoped3A_235 : memref<!tpu.dma_semaphore, #tpu.memory_space<semaphore_mem>>) src(%arg10 : memref<64x16xf32, #tpu.memory_space<vmem>>) dst(%dma_wait3A_242 : memref<64x16xf32, #tpu.memory_space<vmem_shared>>)
      tpu.yield
    }) : () -> ()
    %mul3A_41 = arith.constant 640 : i32
    %mul3A_42 = arith.muli %arg1, %mul3A_41 : i32
    %add3A_43 = arith.constant 256 : i32
    %add3A_44 = arith.addi %mul3A_42, %add3A_43 : i32
    %run_scoped3A_45 = arith.constant 0 : i32
    "tpu.region"() ({
      %run_scoped3A_235 = tpu.sem_alloc : memref<!tpu.dma_semaphore, #tpu.memory_space<semaphore_mem>>
      %dma_start3A = arith.constant 0 : i32
      %dma_start3A_236 = arith.constant 0 : i32
      %dma_start3A_237 = tpu.memref_slice %arg8[%run_scoped3A_45, %dma_start3A, %dma_start3A_236] : memref<8x64x64xf32, #tpu.memory_space<vmem>> -> memref<1x64x64xf32, #tpu.memory_space<vmem>>
      %dma_start3A_238 = tpu.memref_squeeze %dma_start3A_237 : memref<1x64x64xf32, #tpu.memory_space<vmem>> -> memref<64x64xf32, #tpu.memory_space<vmem>>
      %dma_start3A_239 = arith.constant 0 : i32
      %dma_start3A_240 = tpu.memref_slice %arg11[%add3A_44, %dma_start3A_239] : memref<10240x64xf32, #tpu.memory_space<vmem_shared>> -> memref<64x64xf32, #tpu.memory_space<vmem_shared>>
      %dma_start3A_241 = arith.constant 0 : i32
      %dma_start3A_242 = tpu.memref_slice %arg11[%add3A_44, %dma_start3A_241] : memref<10240x64xf32, #tpu.memory_space<vmem_shared>> -> memref<64x64xf32, #tpu.memory_space<vmem_shared>>
      %dma_start3A_243 = arith.constant 0 : i32
      %dma_start3A_244 = arith.constant 0 : i32
      %dma_start3A_245 = tpu.memref_slice %arg8[%run_scoped3A_45, %dma_start3A_243, %dma_start3A_244] : memref<8x64x64xf32, #tpu.memory_space<vmem>> -> memref<1x64x64xf32, #tpu.memory_space<vmem>>
      %dma_start3A_246 = tpu.memref_squeeze %dma_start3A_245 : memref<1x64x64xf32, #tpu.memory_space<vmem>> -> memref<64x64xf32, #tpu.memory_space<vmem>>
      tpu.enqueue_dma source(%dma_start3A_246 : memref<64x64xf32, #tpu.memory_space<vmem>>) target(%dma_start3A_242 : memref<64x64xf32, #tpu.memory_space<vmem_shared>>) target_semaphore(%run_scoped3A_235 : memref<!tpu.dma_semaphore, #tpu.memory_space<semaphore_mem>>)
      %dma_wait3A_247 = arith.constant 0 : i32
      %dma_wait3A_248 = arith.constant 0 : i32
      %dma_wait3A_249 = tpu.memref_slice %arg8[%run_scoped3A_45, %dma_wait3A_247, %dma_wait3A_248] : memref<8x64x64xf32, #tpu.memory_space<vmem>> -> memref<1x64x64xf32, #tpu.memory_space<vmem>>
      %dma_wait3A_250 = tpu.memref_squeeze %dma_wait3A_249 : memref<1x64x64xf32, #tpu.memory_space<vmem>> -> memref<64x64xf32, #tpu.memory_space<vmem>>
      %dma_wait3A_251 = arith.constant 0 : i32
      %dma_wait3A_252 = tpu.memref_slice %arg11[%add3A_44, %dma_wait3A_251] : memref<10240x64xf32, #tpu.memory_space<vmem_shared>> -> memref<64x64xf32, #tpu.memory_space<vmem_shared>>
      %dma_wait3A_253 = arith.constant 0 : i32
      %dma_wait3A_254 = tpu.memref_slice %arg11[%add3A_44, %dma_wait3A_253] : memref<10240x64xf32, #tpu.memory_space<vmem_shared>> -> memref<64x64xf32, #tpu.memory_space<vmem_shared>>
      %dma_wait3A_255 = arith.constant 0 : i32
      %dma_wait3A_256 = arith.constant 0 : i32
      %dma_wait3A_257 = tpu.memref_slice %arg8[%run_scoped3A_45, %dma_wait3A_255, %dma_wait3A_256] : memref<8x64x64xf32, #tpu.memory_space<vmem>> -> memref<1x64x64xf32, #tpu.memory_space<vmem>>
      %dma_wait3A_258 = tpu.memref_squeeze %dma_wait3A_257 : memref<1x64x64xf32, #tpu.memory_space<vmem>> -> memref<64x64xf32, #tpu.memory_space<vmem>>
      tpu.wait_dma2 semaphore(%run_scoped3A_235 : memref<!tpu.dma_semaphore, #tpu.memory_space<semaphore_mem>>) src(%dma_wait3A_258 : memref<64x64xf32, #tpu.memory_space<vmem>>) dst(%dma_wait3A_254 : memref<64x64xf32, #tpu.memory_space<vmem_shared>>)
      tpu.yield
    }) : () -> ()
    %mul3A_46 = arith.constant 640 : i32
    %mul3A_47 = arith.muli %arg1, %mul3A_46 : i32
    %add3A_48 = arith.constant 256 : i32
    %add3A_49 = arith.addi %mul3A_47, %add3A_48 : i32
    "tpu.region"() ({
      %run_scoped3A_235 = tpu.sem_alloc : memref<!tpu.dma_semaphore, #tpu.memory_space<semaphore_mem>>
      %dma_start3A = arith.constant 0 : i32
      %dma_start3A_236 = tpu.memref_slice %arg12[%add3A_49, %dma_start3A] : memref<10240x16xf32, #tpu.memory_space<vmem_shared>> -> memref<64x16xf32, #tpu.memory_space<vmem_shared>>
      %dma_start3A_237 = arith.constant 0 : i32
      %dma_start3A_238 = tpu.memref_slice %arg12[%add3A_49, %dma_start3A_237] : memref<10240x16xf32, #tpu.memory_space<vmem_shared>> -> memref<64x16xf32, #tpu.memory_space<vmem_shared>>
      tpu.enqueue_dma source(%arg10 : memref<64x16xf32, #tpu.memory_space<vmem>>) target(%dma_start3A_238 : memref<64x16xf32, #tpu.memory_space<vmem_shared>>) target_semaphore(%run_scoped3A_235 : memref<!tpu.dma_semaphore, #tpu.memory_space<semaphore_mem>>)
      %dma_wait3A_239 = arith.constant 0 : i32
      %dma_wait3A_240 = tpu.memref_slice %arg12[%add3A_49, %dma_wait3A_239] : memref<10240x16xf32, #tpu.memory_space<vmem_shared>> -> memref<64x16xf32, #tpu.memory_space<vmem_shared>>
      %dma_wait3A_241 = arith.constant 0 : i32
      %dma_wait3A_242 = tpu.memref_slice %arg12[%add3A_49, %dma_wait3A_241] : memref<10240x16xf32, #tpu.memory_space<vmem_shared>> -> memref<64x16xf32, #tpu.memory_space<vmem_shared>>
      tpu.wait_dma2 semaphore(%run_scoped3A_235 : memref<!tpu.dma_semaphore, #tpu.memory_space<semaphore_mem>>) src(%arg10 : memref<64x16xf32, #tpu.memory_space<vmem>>) dst(%dma_wait3A_242 : memref<64x16xf32, #tpu.memory_space<vmem_shared>>)
      tpu.yield
    }) : () -> ()
    %mul3A_50 = arith.constant 640 : i32
    %mul3A_51 = arith.muli %arg1, %mul3A_50 : i32
    %add3A_52 = arith.constant 320 : i32
    %add3A_53 = arith.addi %mul3A_51, %add3A_52 : i32
    %run_scoped3A_54 = arith.constant 0 : i32
    "tpu.region"() ({
      %run_scoped3A_235 = tpu.sem_alloc : memref<!tpu.dma_semaphore, #tpu.memory_space<semaphore_mem>>
      %dma_start3A = arith.constant 0 : i32
      %dma_start3A_236 = arith.constant 0 : i32
      %dma_start3A_237 = tpu.memref_slice %arg8[%run_scoped3A_54, %dma_start3A, %dma_start3A_236] : memref<8x64x64xf32, #tpu.memory_space<vmem>> -> memref<1x64x64xf32, #tpu.memory_space<vmem>>
      %dma_start3A_238 = tpu.memref_squeeze %dma_start3A_237 : memref<1x64x64xf32, #tpu.memory_space<vmem>> -> memref<64x64xf32, #tpu.memory_space<vmem>>
      %dma_start3A_239 = arith.constant 0 : i32
      %dma_start3A_240 = tpu.memref_slice %arg11[%add3A_53, %dma_start3A_239] : memref<10240x64xf32, #tpu.memory_space<vmem_shared>> -> memref<64x64xf32, #tpu.memory_space<vmem_shared>>
      %dma_start3A_241 = arith.constant 0 : i32
      %dma_start3A_242 = tpu.memref_slice %arg11[%add3A_53, %dma_start3A_241] : memref<10240x64xf32, #tpu.memory_space<vmem_shared>> -> memref<64x64xf32, #tpu.memory_space<vmem_shared>>
      %dma_start3A_243 = arith.constant 0 : i32
      %dma_start3A_244 = arith.constant 0 : i32
      %dma_start3A_245 = tpu.memref_slice %arg8[%run_scoped3A_54, %dma_start3A_243, %dma_start3A_244] : memref<8x64x64xf32, #tpu.memory_space<vmem>> -> memref<1x64x64xf32, #tpu.memory_space<vmem>>
      %dma_start3A_246 = tpu.memref_squeeze %dma_start3A_245 : memref<1x64x64xf32, #tpu.memory_space<vmem>> -> memref<64x64xf32, #tpu.memory_space<vmem>>
      tpu.enqueue_dma source(%dma_start3A_246 : memref<64x64xf32, #tpu.memory_space<vmem>>) target(%dma_start3A_242 : memref<64x64xf32, #tpu.memory_space<vmem_shared>>) target_semaphore(%run_scoped3A_235 : memref<!tpu.dma_semaphore, #tpu.memory_space<semaphore_mem>>)
      %dma_wait3A_247 = arith.constant 0 : i32
      %dma_wait3A_248 = arith.constant 0 : i32
      %dma_wait3A_249 = tpu.memref_slice %arg8[%run_scoped3A_54, %dma_wait3A_247, %dma_wait3A_248] : memref<8x64x64xf32, #tpu.memory_space<vmem>> -> memref<1x64x64xf32, #tpu.memory_space<vmem>>
      %dma_wait3A_250 = tpu.memref_squeeze %dma_wait3A_249 : memref<1x64x64xf32, #tpu.memory_space<vmem>> -> memref<64x64xf32, #tpu.memory_space<vmem>>
      %dma_wait3A_251 = arith.constant 0 : i32
      %dma_wait3A_252 = tpu.memref_slice %arg11[%add3A_53, %dma_wait3A_251] : memref<10240x64xf32, #tpu.memory_space<vmem_shared>> -> memref<64x64xf32, #tpu.memory_space<vmem_shared>>
      %dma_wait3A_253 = arith.constant 0 : i32
      %dma_wait3A_254 = tpu.memref_slice %arg11[%add3A_53, %dma_wait3A_253] : memref<10240x64xf32, #tpu.memory_space<vmem_shared>> -> memref<64x64xf32, #tpu.memory_space<vmem_shared>>
      %dma_wait3A_255 = arith.constant 0 : i32
      %dma_wait3A_256 = arith.constant 0 : i32
      %dma_wait3A_257 = tpu.memref_slice %arg8[%run_scoped3A_54, %dma_wait3A_255, %dma_wait3A_256] : memref<8x64x64xf32, #tpu.memory_space<vmem>> -> memref<1x64x64xf32, #tpu.memory_space<vmem>>
      %dma_wait3A_258 = tpu.memref_squeeze %dma_wait3A_257 : memref<1x64x64xf32, #tpu.memory_space<vmem>> -> memref<64x64xf32, #tpu.memory_space<vmem>>
      tpu.wait_dma2 semaphore(%run_scoped3A_235 : memref<!tpu.dma_semaphore, #tpu.memory_space<semaphore_mem>>) src(%dma_wait3A_258 : memref<64x64xf32, #tpu.memory_space<vmem>>) dst(%dma_wait3A_254 : memref<64x64xf32, #tpu.memory_space<vmem_shared>>)
      tpu.yield
    }) : () -> ()
    %mul3A_55 = arith.constant 640 : i32
    %mul3A_56 = arith.muli %arg1, %mul3A_55 : i32
    %add3A_57 = arith.constant 320 : i32
    %add3A_58 = arith.addi %mul3A_56, %add3A_57 : i32
    "tpu.region"() ({
      %run_scoped3A_235 = tpu.sem_alloc : memref<!tpu.dma_semaphore, #tpu.memory_space<semaphore_mem>>
      %dma_start3A = arith.constant 0 : i32
      %dma_start3A_236 = tpu.memref_slice %arg12[%add3A_58, %dma_start3A] : memref<10240x16xf32, #tpu.memory_space<vmem_shared>> -> memref<64x16xf32, #tpu.memory_space<vmem_shared>>
      %dma_start3A_237 = arith.constant 0 : i32
      %dma_start3A_238 = tpu.memref_slice %arg12[%add3A_58, %dma_start3A_237] : memref<10240x16xf32, #tpu.memory_space<vmem_shared>> -> memref<64x16xf32, #tpu.memory_space<vmem_shared>>
      tpu.enqueue_dma source(%arg10 : memref<64x16xf32, #tpu.memory_space<vmem>>) target(%dma_start3A_238 : memref<64x16xf32, #tpu.memory_space<vmem_shared>>) target_semaphore(%run_scoped3A_235 : memref<!tpu.dma_semaphore, #tpu.memory_space<semaphore_mem>>)
      %dma_wait3A_239 = arith.constant 0 : i32
      %dma_wait3A_240 = tpu.memref_slice %arg12[%add3A_58, %dma_wait3A_239] : memref<10240x16xf32, #tpu.memory_space<vmem_shared>> -> memref<64x16xf32, #tpu.memory_space<vmem_shared>>
      %dma_wait3A_241 = arith.constant 0 : i32
      %dma_wait3A_242 = tpu.memref_slice %arg12[%add3A_58, %dma_wait3A_241] : memref<10240x16xf32, #tpu.memory_space<vmem_shared>> -> memref<64x16xf32, #tpu.memory_space<vmem_shared>>
      tpu.wait_dma2 semaphore(%run_scoped3A_235 : memref<!tpu.dma_semaphore, #tpu.memory_space<semaphore_mem>>) src(%arg10 : memref<64x16xf32, #tpu.memory_space<vmem>>) dst(%dma_wait3A_242 : memref<64x16xf32, #tpu.memory_space<vmem_shared>>)
      tpu.yield
    }) : () -> ()
    %mul3A_59 = arith.constant 640 : i32
    %mul3A_60 = arith.muli %arg1, %mul3A_59 : i32
    %add3A_61 = arith.constant 384 : i32
    %add3A_62 = arith.addi %mul3A_60, %add3A_61 : i32
    %run_scoped3A_63 = arith.constant 0 : i32
    "tpu.region"() ({
      %run_scoped3A_235 = tpu.sem_alloc : memref<!tpu.dma_semaphore, #tpu.memory_space<semaphore_mem>>
      %dma_start3A = arith.constant 0 : i32
      %dma_start3A_236 = arith.constant 0 : i32
      %dma_start3A_237 = tpu.memref_slice %arg8[%run_scoped3A_63, %dma_start3A, %dma_start3A_236] : memref<8x64x64xf32, #tpu.memory_space<vmem>> -> memref<1x64x64xf32, #tpu.memory_space<vmem>>
      %dma_start3A_238 = tpu.memref_squeeze %dma_start3A_237 : memref<1x64x64xf32, #tpu.memory_space<vmem>> -> memref<64x64xf32, #tpu.memory_space<vmem>>
      %dma_start3A_239 = arith.constant 0 : i32
      %dma_start3A_240 = tpu.memref_slice %arg11[%add3A_62, %dma_start3A_239] : memref<10240x64xf32, #tpu.memory_space<vmem_shared>> -> memref<64x64xf32, #tpu.memory_space<vmem_shared>>
      %dma_start3A_241 = arith.constant 0 : i32
      %dma_start3A_242 = tpu.memref_slice %arg11[%add3A_62, %dma_start3A_241] : memref<10240x64xf32, #tpu.memory_space<vmem_shared>> -> memref<64x64xf32, #tpu.memory_space<vmem_shared>>
      %dma_start3A_243 = arith.constant 0 : i32
      %dma_start3A_244 = arith.constant 0 : i32
      %dma_start3A_245 = tpu.memref_slice %arg8[%run_scoped3A_63, %dma_start3A_243, %dma_start3A_244] : memref<8x64x64xf32, #tpu.memory_space<vmem>> -> memref<1x64x64xf32, #tpu.memory_space<vmem>>
      %dma_start3A_246 = tpu.memref_squeeze %dma_start3A_245 : memref<1x64x64xf32, #tpu.memory_space<vmem>> -> memref<64x64xf32, #tpu.memory_space<vmem>>
      tpu.enqueue_dma source(%dma_start3A_246 : memref<64x64xf32, #tpu.memory_space<vmem>>) target(%dma_start3A_242 : memref<64x64xf32, #tpu.memory_space<vmem_shared>>) target_semaphore(%run_scoped3A_235 : memref<!tpu.dma_semaphore, #tpu.memory_space<semaphore_mem>>)
      %dma_wait3A_247 = arith.constant 0 : i32
      %dma_wait3A_248 = arith.constant 0 : i32
      %dma_wait3A_249 = tpu.memref_slice %arg8[%run_scoped3A_63, %dma_wait3A_247, %dma_wait3A_248] : memref<8x64x64xf32, #tpu.memory_space<vmem>> -> memref<1x64x64xf32, #tpu.memory_space<vmem>>
      %dma_wait3A_250 = tpu.memref_squeeze %dma_wait3A_249 : memref<1x64x64xf32, #tpu.memory_space<vmem>> -> memref<64x64xf32, #tpu.memory_space<vmem>>
      %dma_wait3A_251 = arith.constant 0 : i32
      %dma_wait3A_252 = tpu.memref_slice %arg11[%add3A_62, %dma_wait3A_251] : memref<10240x64xf32, #tpu.memory_space<vmem_shared>> -> memref<64x64xf32, #tpu.memory_space<vmem_shared>>
      %dma_wait3A_253 = arith.constant 0 : i32
      %dma_wait3A_254 = tpu.memref_slice %arg11[%add3A_62, %dma_wait3A_253] : memref<10240x64xf32, #tpu.memory_space<vmem_shared>> -> memref<64x64xf32, #tpu.memory_space<vmem_shared>>
      %dma_wait3A_255 = arith.constant 0 : i32
      %dma_wait3A_256 = arith.constant 0 : i32
      %dma_wait3A_257 = tpu.memref_slice %arg8[%run_scoped3A_63, %dma_wait3A_255, %dma_wait3A_256] : memref<8x64x64xf32, #tpu.memory_space<vmem>> -> memref<1x64x64xf32, #tpu.memory_space<vmem>>
      %dma_wait3A_258 = tpu.memref_squeeze %dma_wait3A_257 : memref<1x64x64xf32, #tpu.memory_space<vmem>> -> memref<64x64xf32, #tpu.memory_space<vmem>>
      tpu.wait_dma2 semaphore(%run_scoped3A_235 : memref<!tpu.dma_semaphore, #tpu.memory_space<semaphore_mem>>) src(%dma_wait3A_258 : memref<64x64xf32, #tpu.memory_space<vmem>>) dst(%dma_wait3A_254 : memref<64x64xf32, #tpu.memory_space<vmem_shared>>)
      tpu.yield
    }) : () -> ()
    %mul3A_64 = arith.constant 640 : i32
    %mul3A_65 = arith.muli %arg1, %mul3A_64 : i32
    %add3A_66 = arith.constant 384 : i32
    %add3A_67 = arith.addi %mul3A_65, %add3A_66 : i32
    "tpu.region"() ({
      %run_scoped3A_235 = tpu.sem_alloc : memref<!tpu.dma_semaphore, #tpu.memory_space<semaphore_mem>>
      %dma_start3A = arith.constant 0 : i32
      %dma_start3A_236 = tpu.memref_slice %arg12[%add3A_67, %dma_start3A] : memref<10240x16xf32, #tpu.memory_space<vmem_shared>> -> memref<64x16xf32, #tpu.memory_space<vmem_shared>>
      %dma_start3A_237 = arith.constant 0 : i32
      %dma_start3A_238 = tpu.memref_slice %arg12[%add3A_67, %dma_start3A_237] : memref<10240x16xf32, #tpu.memory_space<vmem_shared>> -> memref<64x16xf32, #tpu.memory_space<vmem_shared>>
      tpu.enqueue_dma source(%arg10 : memref<64x16xf32, #tpu.memory_space<vmem>>) target(%dma_start3A_238 : memref<64x16xf32, #tpu.memory_space<vmem_shared>>) target_semaphore(%run_scoped3A_235 : memref<!tpu.dma_semaphore, #tpu.memory_space<semaphore_mem>>)
      %dma_wait3A_239 = arith.constant 0 : i32
      %dma_wait3A_240 = tpu.memref_slice %arg12[%add3A_67, %dma_wait3A_239] : memref<10240x16xf32, #tpu.memory_space<vmem_shared>> -> memref<64x16xf32, #tpu.memory_space<vmem_shared>>
      %dma_wait3A_241 = arith.constant 0 : i32
      %dma_wait3A_242 = tpu.memref_slice %arg12[%add3A_67, %dma_wait3A_241] : memref<10240x16xf32, #tpu.memory_space<vmem_shared>> -> memref<64x16xf32, #tpu.memory_space<vmem_shared>>
      tpu.wait_dma2 semaphore(%run_scoped3A_235 : memref<!tpu.dma_semaphore, #tpu.memory_space<semaphore_mem>>) src(%arg10 : memref<64x16xf32, #tpu.memory_space<vmem>>) dst(%dma_wait3A_242 : memref<64x16xf32, #tpu.memory_space<vmem_shared>>)
      tpu.yield
    }) : () -> ()
    %mul3A_68 = arith.constant 640 : i32
    %mul3A_69 = arith.muli %arg1, %mul3A_68 : i32
    %add3A_70 = arith.constant 448 : i32
    %add3A_71 = arith.addi %mul3A_69, %add3A_70 : i32
    %run_scoped3A_72 = arith.constant 0 : i32
    "tpu.region"() ({
      %run_scoped3A_235 = tpu.sem_alloc : memref<!tpu.dma_semaphore, #tpu.memory_space<semaphore_mem>>
      %dma_start3A = arith.constant 0 : i32
      %dma_start3A_236 = arith.constant 0 : i32
      %dma_start3A_237 = tpu.memref_slice %arg8[%run_scoped3A_72, %dma_start3A, %dma_start3A_236] : memref<8x64x64xf32, #tpu.memory_space<vmem>> -> memref<1x64x64xf32, #tpu.memory_space<vmem>>
      %dma_start3A_238 = tpu.memref_squeeze %dma_start3A_237 : memref<1x64x64xf32, #tpu.memory_space<vmem>> -> memref<64x64xf32, #tpu.memory_space<vmem>>
      %dma_start3A_239 = arith.constant 0 : i32
      %dma_start3A_240 = tpu.memref_slice %arg11[%add3A_71, %dma_start3A_239] : memref<10240x64xf32, #tpu.memory_space<vmem_shared>> -> memref<64x64xf32, #tpu.memory_space<vmem_shared>>
      %dma_start3A_241 = arith.constant 0 : i32
      %dma_start3A_242 = tpu.memref_slice %arg11[%add3A_71, %dma_start3A_241] : memref<10240x64xf32, #tpu.memory_space<vmem_shared>> -> memref<64x64xf32, #tpu.memory_space<vmem_shared>>
      %dma_start3A_243 = arith.constant 0 : i32
      %dma_start3A_244 = arith.constant 0 : i32
      %dma_start3A_245 = tpu.memref_slice %arg8[%run_scoped3A_72, %dma_start3A_243, %dma_start3A_244] : memref<8x64x64xf32, #tpu.memory_space<vmem>> -> memref<1x64x64xf32, #tpu.memory_space<vmem>>
      %dma_start3A_246 = tpu.memref_squeeze %dma_start3A_245 : memref<1x64x64xf32, #tpu.memory_space<vmem>> -> memref<64x64xf32, #tpu.memory_space<vmem>>
      tpu.enqueue_dma source(%dma_start3A_246 : memref<64x64xf32, #tpu.memory_space<vmem>>) target(%dma_start3A_242 : memref<64x64xf32, #tpu.memory_space<vmem_shared>>) target_semaphore(%run_scoped3A_235 : memref<!tpu.dma_semaphore, #tpu.memory_space<semaphore_mem>>)
      %dma_wait3A_247 = arith.constant 0 : i32
      %dma_wait3A_248 = arith.constant 0 : i32
      %dma_wait3A_249 = tpu.memref_slice %arg8[%run_scoped3A_72, %dma_wait3A_247, %dma_wait3A_248] : memref<8x64x64xf32, #tpu.memory_space<vmem>> -> memref<1x64x64xf32, #tpu.memory_space<vmem>>
      %dma_wait3A_250 = tpu.memref_squeeze %dma_wait3A_249 : memref<1x64x64xf32, #tpu.memory_space<vmem>> -> memref<64x64xf32, #tpu.memory_space<vmem>>
      %dma_wait3A_251 = arith.constant 0 : i32
      %dma_wait3A_252 = tpu.memref_slice %arg11[%add3A_71, %dma_wait3A_251] : memref<10240x64xf32, #tpu.memory_space<vmem_shared>> -> memref<64x64xf32, #tpu.memory_space<vmem_shared>>
      %dma_wait3A_253 = arith.constant 0 : i32
      %dma_wait3A_254 = tpu.memref_slice %arg11[%add3A_71, %dma_wait3A_253] : memref<10240x64xf32, #tpu.memory_space<vmem_shared>> -> memref<64x64xf32, #tpu.memory_space<vmem_shared>>
      %dma_wait3A_255 = arith.constant 0 : i32
      %dma_wait3A_256 = arith.constant 0 : i32
      %dma_wait3A_257 = tpu.memref_slice %arg8[%run_scoped3A_72, %dma_wait3A_255, %dma_wait3A_256] : memref<8x64x64xf32, #tpu.memory_space<vmem>> -> memref<1x64x64xf32, #tpu.memory_space<vmem>>
      %dma_wait3A_258 = tpu.memref_squeeze %dma_wait3A_257 : memref<1x64x64xf32, #tpu.memory_space<vmem>> -> memref<64x64xf32, #tpu.memory_space<vmem>>
      tpu.wait_dma2 semaphore(%run_scoped3A_235 : memref<!tpu.dma_semaphore, #tpu.memory_space<semaphore_mem>>) src(%dma_wait3A_258 : memref<64x64xf32, #tpu.memory_space<vmem>>) dst(%dma_wait3A_254 : memref<64x64xf32, #tpu.memory_space<vmem_shared>>)
      tpu.yield
    }) : () -> ()
    %mul3A_73 = arith.constant 640 : i32
    %mul3A_74 = arith.muli %arg1, %mul3A_73 : i32
    %add3A_75 = arith.constant 448 : i32
    %add3A_76 = arith.addi %mul3A_74, %add3A_75 : i32
    "tpu.region"() ({
      %run_scoped3A_235 = tpu.sem_alloc : memref<!tpu.dma_semaphore, #tpu.memory_space<semaphore_mem>>
      %dma_start3A = arith.constant 0 : i32
      %dma_start3A_236 = tpu.memref_slice %arg12[%add3A_76, %dma_start3A] : memref<10240x16xf32, #tpu.memory_space<vmem_shared>> -> memref<64x16xf32, #tpu.memory_space<vmem_shared>>
      %dma_start3A_237 = arith.constant 0 : i32
      %dma_start3A_238 = tpu.memref_slice %arg12[%add3A_76, %dma_start3A_237] : memref<10240x16xf32, #tpu.memory_space<vmem_shared>> -> memref<64x16xf32, #tpu.memory_space<vmem_shared>>
      tpu.enqueue_dma source(%arg10 : memref<64x16xf32, #tpu.memory_space<vmem>>) target(%dma_start3A_238 : memref<64x16xf32, #tpu.memory_space<vmem_shared>>) target_semaphore(%run_scoped3A_235 : memref<!tpu.dma_semaphore, #tpu.memory_space<semaphore_mem>>)
      %dma_wait3A_239 = arith.constant 0 : i32
      %dma_wait3A_240 = tpu.memref_slice %arg12[%add3A_76, %dma_wait3A_239] : memref<10240x16xf32, #tpu.memory_space<vmem_shared>> -> memref<64x16xf32, #tpu.memory_space<vmem_shared>>
      %dma_wait3A_241 = arith.constant 0 : i32
      %dma_wait3A_242 = tpu.memref_slice %arg12[%add3A_76, %dma_wait3A_241] : memref<10240x16xf32, #tpu.memory_space<vmem_shared>> -> memref<64x16xf32, #tpu.memory_space<vmem_shared>>
      tpu.wait_dma2 semaphore(%run_scoped3A_235 : memref<!tpu.dma_semaphore, #tpu.memory_space<semaphore_mem>>) src(%arg10 : memref<64x16xf32, #tpu.memory_space<vmem>>) dst(%dma_wait3A_242 : memref<64x16xf32, #tpu.memory_space<vmem_shared>>)
      tpu.yield
    }) : () -> ()
    %mul3A_77 = arith.constant 640 : i32
    %mul3A_78 = arith.muli %arg1, %mul3A_77 : i32
    %add3A_79 = arith.constant 512 : i32
    %add3A_80 = arith.addi %mul3A_78, %add3A_79 : i32
    %run_scoped3A_81 = arith.constant 0 : i32
    "tpu.region"() ({
      %run_scoped3A_235 = tpu.sem_alloc : memref<!tpu.dma_semaphore, #tpu.memory_space<semaphore_mem>>
      %dma_start3A = arith.constant 0 : i32
      %dma_start3A_236 = arith.constant 0 : i32
      %dma_start3A_237 = tpu.memref_slice %arg8[%run_scoped3A_81, %dma_start3A, %dma_start3A_236] : memref<8x64x64xf32, #tpu.memory_space<vmem>> -> memref<1x64x64xf32, #tpu.memory_space<vmem>>
      %dma_start3A_238 = tpu.memref_squeeze %dma_start3A_237 : memref<1x64x64xf32, #tpu.memory_space<vmem>> -> memref<64x64xf32, #tpu.memory_space<vmem>>
      %dma_start3A_239 = arith.constant 0 : i32
      %dma_start3A_240 = tpu.memref_slice %arg11[%add3A_80, %dma_start3A_239] : memref<10240x64xf32, #tpu.memory_space<vmem_shared>> -> memref<64x64xf32, #tpu.memory_space<vmem_shared>>
      %dma_start3A_241 = arith.constant 0 : i32
      %dma_start3A_242 = tpu.memref_slice %arg11[%add3A_80, %dma_start3A_241] : memref<10240x64xf32, #tpu.memory_space<vmem_shared>> -> memref<64x64xf32, #tpu.memory_space<vmem_shared>>
      %dma_start3A_243 = arith.constant 0 : i32
      %dma_start3A_244 = arith.constant 0 : i32
      %dma_start3A_245 = tpu.memref_slice %arg8[%run_scoped3A_81, %dma_start3A_243, %dma_start3A_244] : memref<8x64x64xf32, #tpu.memory_space<vmem>> -> memref<1x64x64xf32, #tpu.memory_space<vmem>>
      %dma_start3A_246 = tpu.memref_squeeze %dma_start3A_245 : memref<1x64x64xf32, #tpu.memory_space<vmem>> -> memref<64x64xf32, #tpu.memory_space<vmem>>
      tpu.enqueue_dma source(%dma_start3A_246 : memref<64x64xf32, #tpu.memory_space<vmem>>) target(%dma_start3A_242 : memref<64x64xf32, #tpu.memory_space<vmem_shared>>) target_semaphore(%run_scoped3A_235 : memref<!tpu.dma_semaphore, #tpu.memory_space<semaphore_mem>>)
      %dma_wait3A_247 = arith.constant 0 : i32
      %dma_wait3A_248 = arith.constant 0 : i32
      %dma_wait3A_249 = tpu.memref_slice %arg8[%run_scoped3A_81, %dma_wait3A_247, %dma_wait3A_248] : memref<8x64x64xf32, #tpu.memory_space<vmem>> -> memref<1x64x64xf32, #tpu.memory_space<vmem>>
      %dma_wait3A_250 = tpu.memref_squeeze %dma_wait3A_249 : memref<1x64x64xf32, #tpu.memory_space<vmem>> -> memref<64x64xf32, #tpu.memory_space<vmem>>
      %dma_wait3A_251 = arith.constant 0 : i32
      %dma_wait3A_252 = tpu.memref_slice %arg11[%add3A_80, %dma_wait3A_251] : memref<10240x64xf32, #tpu.memory_space<vmem_shared>> -> memref<64x64xf32, #tpu.memory_space<vmem_shared>>
      %dma_wait3A_253 = arith.constant 0 : i32
      %dma_wait3A_254 = tpu.memref_slice %arg11[%add3A_80, %dma_wait3A_253] : memref<10240x64xf32, #tpu.memory_space<vmem_shared>> -> memref<64x64xf32, #tpu.memory_space<vmem_shared>>
      %dma_wait3A_255 = arith.constant 0 : i32
      %dma_wait3A_256 = arith.constant 0 : i32
      %dma_wait3A_257 = tpu.memref_slice %arg8[%run_scoped3A_81, %dma_wait3A_255, %dma_wait3A_256] : memref<8x64x64xf32, #tpu.memory_space<vmem>> -> memref<1x64x64xf32, #tpu.memory_space<vmem>>
      %dma_wait3A_258 = tpu.memref_squeeze %dma_wait3A_257 : memref<1x64x64xf32, #tpu.memory_space<vmem>> -> memref<64x64xf32, #tpu.memory_space<vmem>>
      tpu.wait_dma2 semaphore(%run_scoped3A_235 : memref<!tpu.dma_semaphore, #tpu.memory_space<semaphore_mem>>) src(%dma_wait3A_258 : memref<64x64xf32, #tpu.memory_space<vmem>>) dst(%dma_wait3A_254 : memref<64x64xf32, #tpu.memory_space<vmem_shared>>)
      tpu.yield
    }) : () -> ()
    %mul3A_82 = arith.constant 640 : i32
    %mul3A_83 = arith.muli %arg1, %mul3A_82 : i32
    %add3A_84 = arith.constant 512 : i32
    %add3A_85 = arith.addi %mul3A_83, %add3A_84 : i32
    "tpu.region"() ({
      %run_scoped3A_235 = tpu.sem_alloc : memref<!tpu.dma_semaphore, #tpu.memory_space<semaphore_mem>>
      %dma_start3A = arith.constant 0 : i32
      %dma_start3A_236 = tpu.memref_slice %arg12[%add3A_85, %dma_start3A] : memref<10240x16xf32, #tpu.memory_space<vmem_shared>> -> memref<64x16xf32, #tpu.memory_space<vmem_shared>>
      %dma_start3A_237 = arith.constant 0 : i32
      %dma_start3A_238 = tpu.memref_slice %arg12[%add3A_85, %dma_start3A_237] : memref<10240x16xf32, #tpu.memory_space<vmem_shared>> -> memref<64x16xf32, #tpu.memory_space<vmem_shared>>
      tpu.enqueue_dma source(%arg10 : memref<64x16xf32, #tpu.memory_space<vmem>>) target(%dma_start3A_238 : memref<64x16xf32, #tpu.memory_space<vmem_shared>>) target_semaphore(%run_scoped3A_235 : memref<!tpu.dma_semaphore, #tpu.memory_space<semaphore_mem>>)
      %dma_wait3A_239 = arith.constant 0 : i32
      %dma_wait3A_240 = tpu.memref_slice %arg12[%add3A_85, %dma_wait3A_239] : memref<10240x16xf32, #tpu.memory_space<vmem_shared>> -> memref<64x16xf32, #tpu.memory_space<vmem_shared>>
      %dma_wait3A_241 = arith.constant 0 : i32
      %dma_wait3A_242 = tpu.memref_slice %arg12[%add3A_85, %dma_wait3A_241] : memref<10240x16xf32, #tpu.memory_space<vmem_shared>> -> memref<64x16xf32, #tpu.memory_space<vmem_shared>>
      tpu.wait_dma2 semaphore(%run_scoped3A_235 : memref<!tpu.dma_semaphore, #tpu.memory_space<semaphore_mem>>) src(%arg10 : memref<64x16xf32, #tpu.memory_space<vmem>>) dst(%dma_wait3A_242 : memref<64x16xf32, #tpu.memory_space<vmem_shared>>)
      tpu.yield
    }) : () -> ()
    %mul3A_86 = arith.constant 640 : i32
    %mul3A_87 = arith.muli %arg1, %mul3A_86 : i32
    %add3A_88 = arith.constant 576 : i32
    %add3A_89 = arith.addi %mul3A_87, %add3A_88 : i32
    %run_scoped3A_90 = arith.constant 0 : i32
    "tpu.region"() ({
      %run_scoped3A_235 = tpu.sem_alloc : memref<!tpu.dma_semaphore, #tpu.memory_space<semaphore_mem>>
      %dma_start3A = arith.constant 0 : i32
      %dma_start3A_236 = arith.constant 0 : i32
      %dma_start3A_237 = tpu.memref_slice %arg8[%run_scoped3A_90, %dma_start3A, %dma_start3A_236] : memref<8x64x64xf32, #tpu.memory_space<vmem>> -> memref<1x64x64xf32, #tpu.memory_space<vmem>>
      %dma_start3A_238 = tpu.memref_squeeze %dma_start3A_237 : memref<1x64x64xf32, #tpu.memory_space<vmem>> -> memref<64x64xf32, #tpu.memory_space<vmem>>
      %dma_start3A_239 = arith.constant 0 : i32
      %dma_start3A_240 = tpu.memref_slice %arg11[%add3A_89, %dma_start3A_239] : memref<10240x64xf32, #tpu.memory_space<vmem_shared>> -> memref<64x64xf32, #tpu.memory_space<vmem_shared>>
      %dma_start3A_241 = arith.constant 0 : i32
      %dma_start3A_242 = tpu.memref_slice %arg11[%add3A_89, %dma_start3A_241] : memref<10240x64xf32, #tpu.memory_space<vmem_shared>> -> memref<64x64xf32, #tpu.memory_space<vmem_shared>>
      %dma_start3A_243 = arith.constant 0 : i32
      %dma_start3A_244 = arith.constant 0 : i32
      %dma_start3A_245 = tpu.memref_slice %arg8[%run_scoped3A_90, %dma_start3A_243, %dma_start3A_244] : memref<8x64x64xf32, #tpu.memory_space<vmem>> -> memref<1x64x64xf32, #tpu.memory_space<vmem>>
      %dma_start3A_246 = tpu.memref_squeeze %dma_start3A_245 : memref<1x64x64xf32, #tpu.memory_space<vmem>> -> memref<64x64xf32, #tpu.memory_space<vmem>>
      tpu.enqueue_dma source(%dma_start3A_246 : memref<64x64xf32, #tpu.memory_space<vmem>>) target(%dma_start3A_242 : memref<64x64xf32, #tpu.memory_space<vmem_shared>>) target_semaphore(%run_scoped3A_235 : memref<!tpu.dma_semaphore, #tpu.memory_space<semaphore_mem>>)
      %dma_wait3A_247 = arith.constant 0 : i32
      %dma_wait3A_248 = arith.constant 0 : i32
      %dma_wait3A_249 = tpu.memref_slice %arg8[%run_scoped3A_90, %dma_wait3A_247, %dma_wait3A_248] : memref<8x64x64xf32, #tpu.memory_space<vmem>> -> memref<1x64x64xf32, #tpu.memory_space<vmem>>
      %dma_wait3A_250 = tpu.memref_squeeze %dma_wait3A_249 : memref<1x64x64xf32, #tpu.memory_space<vmem>> -> memref<64x64xf32, #tpu.memory_space<vmem>>
      %dma_wait3A_251 = arith.constant 0 : i32
      %dma_wait3A_252 = tpu.memref_slice %arg11[%add3A_89, %dma_wait3A_251] : memref<10240x64xf32, #tpu.memory_space<vmem_shared>> -> memref<64x64xf32, #tpu.memory_space<vmem_shared>>
      %dma_wait3A_253 = arith.constant 0 : i32
      %dma_wait3A_254 = tpu.memref_slice %arg11[%add3A_89, %dma_wait3A_253] : memref<10240x64xf32, #tpu.memory_space<vmem_shared>> -> memref<64x64xf32, #tpu.memory_space<vmem_shared>>
      %dma_wait3A_255 = arith.constant 0 : i32
      %dma_wait3A_256 = arith.constant 0 : i32
      %dma_wait3A_257 = tpu.memref_slice %arg8[%run_scoped3A_90, %dma_wait3A_255, %dma_wait3A_256] : memref<8x64x64xf32, #tpu.memory_space<vmem>> -> memref<1x64x64xf32, #tpu.memory_space<vmem>>
      %dma_wait3A_258 = tpu.memref_squeeze %dma_wait3A_257 : memref<1x64x64xf32, #tpu.memory_space<vmem>> -> memref<64x64xf32, #tpu.memory_space<vmem>>
      tpu.wait_dma2 semaphore(%run_scoped3A_235 : memref<!tpu.dma_semaphore, #tpu.memory_space<semaphore_mem>>) src(%dma_wait3A_258 : memref<64x64xf32, #tpu.memory_space<vmem>>) dst(%dma_wait3A_254 : memref<64x64xf32, #tpu.memory_space<vmem_shared>>)
      tpu.yield
    }) : () -> ()
    %mul3A_91 = arith.constant 640 : i32
    %mul3A_92 = arith.muli %arg1, %mul3A_91 : i32
    %add3A_93 = arith.constant 576 : i32
    %add3A_94 = arith.addi %mul3A_92, %add3A_93 : i32
    "tpu.region"() ({
      %run_scoped3A_235 = tpu.sem_alloc : memref<!tpu.dma_semaphore, #tpu.memory_space<semaphore_mem>>
      %dma_start3A = arith.constant 0 : i32
      %dma_start3A_236 = tpu.memref_slice %arg12[%add3A_94, %dma_start3A] : memref<10240x16xf32, #tpu.memory_space<vmem_shared>> -> memref<64x16xf32, #tpu.memory_space<vmem_shared>>
      %dma_start3A_237 = arith.constant 0 : i32
      %dma_start3A_238 = tpu.memref_slice %arg12[%add3A_94, %dma_start3A_237] : memref<10240x16xf32, #tpu.memory_space<vmem_shared>> -> memref<64x16xf32, #tpu.memory_space<vmem_shared>>
      tpu.enqueue_dma source(%arg10 : memref<64x16xf32, #tpu.memory_space<vmem>>) target(%dma_start3A_238 : memref<64x16xf32, #tpu.memory_space<vmem_shared>>) target_semaphore(%run_scoped3A_235 : memref<!tpu.dma_semaphore, #tpu.memory_space<semaphore_mem>>)
      %dma_wait3A_239 = arith.constant 0 : i32
      %dma_wait3A_240 = tpu.memref_slice %arg12[%add3A_94, %dma_wait3A_239] : memref<10240x16xf32, #tpu.memory_space<vmem_shared>> -> memref<64x16xf32, #tpu.memory_space<vmem_shared>>
      %dma_wait3A_241 = arith.constant 0 : i32
      %dma_wait3A_242 = tpu.memref_slice %arg12[%add3A_94, %dma_wait3A_241] : memref<10240x16xf32, #tpu.memory_space<vmem_shared>> -> memref<64x16xf32, #tpu.memory_space<vmem_shared>>
      tpu.wait_dma2 semaphore(%run_scoped3A_235 : memref<!tpu.dma_semaphore, #tpu.memory_space<semaphore_mem>>) src(%arg10 : memref<64x16xf32, #tpu.memory_space<vmem>>) dst(%dma_wait3A_242 : memref<64x16xf32, #tpu.memory_space<vmem_shared>>)
      tpu.yield
    }) : () -> ()
    %barrier3A = arith.constant 0 : index
    tpu.barrier barrier_id(%barrier3A)
    "tpu.region"() ({
      %run_scoped3A_235 = tpu.sem_alloc : memref<!tpu.dma_semaphore, #tpu.memory_space<semaphore_mem>>
      %dma_start3A = arith.constant 0 : i32
      %dma_start3A_236 = arith.constant 0 : i32
      %dma_start3A_237 = tpu.memref_slice %arg2[%arg1, %dma_start3A, %dma_start3A_236] : memref<16x314x64xi32, #tpu.memory_space<hbm>> -> memref<1x314x64xi32, #tpu.memory_space<hbm>>
      %dma_start3A_238 = tpu.memref_squeeze %dma_start3A_237 : memref<1x314x64xi32, #tpu.memory_space<hbm>> -> memref<314x64xi32, #tpu.memory_space<hbm>>
      %dma_start3A_239 = arith.constant 0 : i32
      %dma_start3A_240 = arith.constant 0 : i32
      %dma_start3A_241 = tpu.memref_slice %arg2[%arg1, %dma_start3A_239, %dma_start3A_240] : memref<16x314x64xi32, #tpu.memory_space<hbm>> -> memref<1x314x64xi32, #tpu.memory_space<hbm>>
      %dma_start3A_242 = tpu.memref_squeeze %dma_start3A_241 : memref<1x314x64xi32, #tpu.memory_space<hbm>> -> memref<314x64xi32, #tpu.memory_space<hbm>>
      tpu.enqueue_dma source(%dma_start3A_242 : memref<314x64xi32, #tpu.memory_space<hbm>>) target(%arg6 : memref<314x64xi32, #tpu.memory_space<vmem>>) target_semaphore(%run_scoped3A_235 : memref<!tpu.dma_semaphore, #tpu.memory_space<semaphore_mem>>)
      %dma_wait3A_243 = arith.constant 0 : i32
      %dma_wait3A_244 = arith.constant 0 : i32
      %dma_wait3A_245 = tpu.memref_slice %arg2[%arg1, %dma_wait3A_243, %dma_wait3A_244] : memref<16x314x64xi32, #tpu.memory_space<hbm>> -> memref<1x314x64xi32, #tpu.memory_space<hbm>>
      %dma_wait3A_246 = tpu.memref_squeeze %dma_wait3A_245 : memref<1x314x64xi32, #tpu.memory_space<hbm>> -> memref<314x64xi32, #tpu.memory_space<hbm>>
      %dma_wait3A_247 = arith.constant 0 : i32
      %dma_wait3A_248 = arith.constant 0 : i32
      %dma_wait3A_249 = tpu.memref_slice %arg2[%arg1, %dma_wait3A_247, %dma_wait3A_248] : memref<16x314x64xi32, #tpu.memory_space<hbm>> -> memref<1x314x64xi32, #tpu.memory_space<hbm>>
      %dma_wait3A_250 = tpu.memref_squeeze %dma_wait3A_249 : memref<1x314x64xi32, #tpu.memory_space<hbm>> -> memref<314x64xi32, #tpu.memory_space<hbm>>
      tpu.wait_dma2 semaphore(%run_scoped3A_235 : memref<!tpu.dma_semaphore, #tpu.memory_space<semaphore_mem>>) src(%dma_wait3A_250 : memref<314x64xi32, #tpu.memory_space<hbm>>) dst(%arg6 : memref<314x64xi32, #tpu.memory_space<vmem>>)
      tpu.yield
    }) : () -> ()
    "tpu.region"() ({
      %run_scoped3A_235 = tpu.sem_alloc : memref<!tpu.dma_semaphore, #tpu.memory_space<semaphore_mem>>
      %dma_start3A = arith.constant 0 : i32
      %dma_start3A_236 = arith.constant 0 : i32
      %dma_start3A_237 = tpu.memref_slice %arg3[%arg1, %dma_start3A, %dma_start3A_236] : memref<16x314x64xi32, #tpu.memory_space<hbm>> -> memref<1x314x64xi32, #tpu.memory_space<hbm>>
      %dma_start3A_238 = tpu.memref_squeeze %dma_start3A_237 : memref<1x314x64xi32, #tpu.memory_space<hbm>> -> memref<314x64xi32, #tpu.memory_space<hbm>>
      %dma_start3A_239 = arith.constant 0 : i32
      %dma_start3A_240 = arith.constant 0 : i32
      %dma_start3A_241 = tpu.memref_slice %arg3[%arg1, %dma_start3A_239, %dma_start3A_240] : memref<16x314x64xi32, #tpu.memory_space<hbm>> -> memref<1x314x64xi32, #tpu.memory_space<hbm>>
      %dma_start3A_242 = tpu.memref_squeeze %dma_start3A_241 : memref<1x314x64xi32, #tpu.memory_space<hbm>> -> memref<314x64xi32, #tpu.memory_space<hbm>>
      tpu.enqueue_dma source(%dma_start3A_242 : memref<314x64xi32, #tpu.memory_space<hbm>>) target(%arg7 : memref<314x64xi32, #tpu.memory_space<vmem>>) target_semaphore(%run_scoped3A_235 : memref<!tpu.dma_semaphore, #tpu.memory_space<semaphore_mem>>)
      %dma_wait3A_243 = arith.constant 0 : i32
      %dma_wait3A_244 = arith.constant 0 : i32
      %dma_wait3A_245 = tpu.memref_slice %arg3[%arg1, %dma_wait3A_243, %dma_wait3A_244] : memref<16x314x64xi32, #tpu.memory_space<hbm>> -> memref<1x314x64xi32, #tpu.memory_space<hbm>>
      %dma_wait3A_246 = tpu.memref_squeeze %dma_wait3A_245 : memref<1x314x64xi32, #tpu.memory_space<hbm>> -> memref<314x64xi32, #tpu.memory_space<hbm>>
      %dma_wait3A_247 = arith.constant 0 : i32
      %dma_wait3A_248 = arith.constant 0 : i32
      %dma_wait3A_249 = tpu.memref_slice %arg3[%arg1, %dma_wait3A_247, %dma_wait3A_248] : memref<16x314x64xi32, #tpu.memory_space<hbm>> -> memref<1x314x64xi32, #tpu.memory_space<hbm>>
      %dma_wait3A_250 = tpu.memref_squeeze %dma_wait3A_249 : memref<1x314x64xi32, #tpu.memory_space<hbm>> -> memref<314x64xi32, #tpu.memory_space<hbm>>
      tpu.wait_dma2 semaphore(%run_scoped3A_235 : memref<!tpu.dma_semaphore, #tpu.memory_space<semaphore_mem>>) src(%dma_wait3A_250 : memref<314x64xi32, #tpu.memory_space<hbm>>) dst(%arg7 : memref<314x64xi32, #tpu.memory_space<vmem>>)
      tpu.yield
    }) : () -> ()
    %scan3A_95 = arith.constant 0 : i32
    %scan3A_96 = arith.constant 0 : i32
    %scan3A_97 = arith.constant 318 : i32
    %scan3A_98 = arith.addi %scan3A_96, %scan3A_97 : i32
    %scan3A_99 = arith.constant 1 : i32
    scf.for %scan3A_235 = %scan3A_96 to %scan3A_98 step %scan3A_99  : i32 {
      %rem3A = arith.constant 8 : i32
      %rem3A_236 = arith.remsi %scan3A_235, %rem3A : i32
      %lt3A = arith.constant 314 : i32
      %lt3A_237 = arith.cmpi slt, %scan3A_235, %lt3A : i32
      %convert_element_type3A = arith.extui %lt3A_237 : i1 to i32
      %cond3A = arith.constant 0 : i32
      %cond3A_238 = arith.cmpi ne, %convert_element_type3A, %cond3A : i32
      scf.if %cond3A_238 {
        %ge3A_244 = arith.constant 8 : i32
        %ge3A_245 = arith.cmpi sge, %scan3A_235, %ge3A_244 : i32
        %convert_element_type3A_246 = arith.extui %ge3A_245 : i1 to i32
        %cond3A_247 = arith.constant 0 : i32
        %cond3A_248 = arith.cmpi ne, %convert_element_type3A_246, %cond3A_247 : i32
        scf.if %cond3A_248 {
          %dma_wait3A_260 = arith.constant 0 : i32
          %dma_wait3A_261 = arith.constant 0 : i32
          %dma_wait3A_262 = tpu.memref_slice %arg8[%rem3A_236, %dma_wait3A_260, %dma_wait3A_261] : memref<8x64x64xf32, #tpu.memory_space<vmem>> -> memref<1x64x64xf32, #tpu.memory_space<vmem>>
          %dma_wait3A_263 = tpu.memref_squeeze %dma_wait3A_262 : memref<1x64x64xf32, #tpu.memory_space<vmem>> -> memref<64x64xf32, #tpu.memory_space<vmem>>
          %dma_wait3A_264 = arith.constant 0 : i32
          %dma_wait3A_265 = arith.constant 0 : i32
          %dma_wait3A_266 = tpu.memref_slice %arg11[%dma_wait3A_264, %dma_wait3A_265] : memref<10240x64xf32, #tpu.memory_space<vmem_shared>> -> memref<64x64xf32, #tpu.memory_space<vmem_shared>>
          %dma_wait3A_267 = arith.constant 0 : i32
          %dma_wait3A_268 = arith.constant 0 : i32
          %dma_wait3A_269 = tpu.memref_slice %arg11[%dma_wait3A_267, %dma_wait3A_268] : memref<10240x64xf32, #tpu.memory_space<vmem_shared>> -> memref<64x64xf32, #tpu.memory_space<vmem_shared>>
          %dma_wait3A_270 = arith.constant 0 : i32
          %dma_wait3A_271 = arith.constant 0 : i32
          %dma_wait3A_272 = tpu.memref_slice %arg8[%rem3A_236, %dma_wait3A_270, %dma_wait3A_271] : memref<8x64x64xf32, #tpu.memory_space<vmem>> -> memref<1x64x64xf32, #tpu.memory_space<vmem>>
          %dma_wait3A_273 = tpu.memref_squeeze %dma_wait3A_272 : memref<1x64x64xf32, #tpu.memory_space<vmem>> -> memref<64x64xf32, #tpu.memory_space<vmem>>
          tpu.wait_dma2 semaphore(%arg14 : memref<!tpu.dma_semaphore, #tpu.memory_space<semaphore_mem>>) src(%dma_wait3A_273 : memref<64x64xf32, #tpu.memory_space<vmem>>) dst(%dma_wait3A_269 : memref<64x64xf32, #tpu.memory_space<vmem_shared>>)
        } else {
        }
        %dma_start3A = arith.constant 0 : i32
        %dma_start3A_249 = arith.constant 0 : i32
        %dma_start3A_250 = tpu.memref_slice %arg8[%rem3A_236, %dma_start3A, %dma_start3A_249] : memref<8x64x64xf32, #tpu.memory_space<vmem>> -> memref<1x64x64xf32, #tpu.memory_space<vmem>>
        %dma_start3A_251 = tpu.memref_squeeze %dma_start3A_250 : memref<1x64x64xf32, #tpu.memory_space<vmem>> -> memref<64x64xf32, #tpu.memory_space<vmem>>
        %dma_start3A_252 = arith.constant 0 : i32
        %dma_start3A_253 = tpu.memref_slice %arg6[%scan3A_235, %dma_start3A_252] : memref<314x64xi32, #tpu.memory_space<vmem>> -> memref<1x64xi32, #tpu.memory_space<vmem>>
        %dma_start3A_254 = tpu.memref_squeeze %dma_start3A_253 : memref<1x64xi32, #tpu.memory_space<vmem>> -> memref<64xi32, #tpu.memory_space<vmem>>
        %dma_start3A_255 = arith.constant 0 : i32
        %dma_start3A_256 = tpu.memref_slice %arg4[%arg0, %dma_start3A_255] : memref<20000x64xf32, #tpu.memory_space<hbm>> -> memref<19999x64xf32, #tpu.memory_space<hbm>>
        %dma_start3A_257 = arith.constant 0 : i32
        %dma_start3A_258 = arith.constant 0 : i32
        %dma_start3A_259 = tpu.memref_slice %dma_start3A_256[%dma_start3A_257, %dma_start3A_258] : memref<19999x64xf32, #tpu.memory_space<hbm>> -> memref<19999x64xf32, #tpu.memory_space<hbm>>
        tpu.enqueue_indirect_dma source(%dma_start3A_259 : memref<19999x64xf32, #tpu.memory_space<hbm>>) target(%dma_start3A_251 : memref<64x64xf32, #tpu.memory_space<vmem>>) offsets(%dma_start3A_254 : memref<64xi32, #tpu.memory_space<vmem>>) semaphore(%arg13 : memref<!tpu.dma_semaphore, #tpu.memory_space<semaphore_mem>>)
      } else {
      }
      %sub3A = arith.constant 4 : i32
      %sub3A_239 = arith.subi %scan3A_235, %sub3A : i32
      %ge3A = arith.constant 0 : i32
      %ge3A_240 = arith.cmpi sge, %sub3A_239, %ge3A : i32
      %convert_element_type3A_241 = arith.extui %ge3A_240 : i1 to i32
      %cond3A_242 = arith.constant 0 : i32
      %cond3A_243 = arith.cmpi ne, %convert_element_type3A_241, %cond3A_242 : i32
      scf.if %cond3A_243 {
        %rem3A_244 = arith.constant 8 : i32
        %rem3A_245 = arith.remsi %sub3A_239, %rem3A_244 : i32
        %dma_wait3A_246 = arith.constant 0 : i32
        %dma_wait3A_247 = arith.constant 0 : i32
        %dma_wait3A_248 = tpu.memref_slice %arg8[%rem3A_245, %dma_wait3A_246, %dma_wait3A_247] : memref<8x64x64xf32, #tpu.memory_space<vmem>> -> memref<1x64x64xf32, #tpu.memory_space<vmem>>
        %dma_wait3A_249 = tpu.memref_squeeze %dma_wait3A_248 : memref<1x64x64xf32, #tpu.memory_space<vmem>> -> memref<64x64xf32, #tpu.memory_space<vmem>>
        %dma_wait3A_250 = arith.constant 0 : i32
        %dma_wait3A_251 = tpu.memref_slice %arg4[%arg0, %dma_wait3A_250] : memref<20000x64xf32, #tpu.memory_space<hbm>> -> memref<19999x64xf32, #tpu.memory_space<hbm>>
        %dma_wait3A_252 = arith.constant 0 : i32
        %dma_wait3A_253 = arith.constant 0 : i32
        %dma_wait3A_254 = tpu.memref_slice %dma_wait3A_251[%dma_wait3A_252, %dma_wait3A_253] : memref<19999x64xf32, #tpu.memory_space<hbm>> -> memref<64x64xf32, #tpu.memory_space<hbm>>
        %dma_wait3A_255 = arith.constant 0 : i32
        %dma_wait3A_256 = arith.constant 0 : i32
        %dma_wait3A_257 = tpu.memref_slice %arg8[%rem3A_245, %dma_wait3A_255, %dma_wait3A_256] : memref<8x64x64xf32, #tpu.memory_space<vmem>> -> memref<1x64x64xf32, #tpu.memory_space<vmem>>
        %dma_wait3A_258 = tpu.memref_squeeze %dma_wait3A_257 : memref<1x64x64xf32, #tpu.memory_space<vmem>> -> memref<64x64xf32, #tpu.memory_space<vmem>>
        %dma_wait3A_259 = arith.constant 0 : i32
        %dma_wait3A_260 = tpu.memref_slice %arg4[%arg0, %dma_wait3A_259] : memref<20000x64xf32, #tpu.memory_space<hbm>> -> memref<19999x64xf32, #tpu.memory_space<hbm>>
        %dma_wait3A_261 = arith.constant 0 : i32
        %dma_wait3A_262 = arith.constant 0 : i32
        %dma_wait3A_263 = tpu.memref_slice %dma_wait3A_260[%dma_wait3A_261, %dma_wait3A_262] : memref<19999x64xf32, #tpu.memory_space<hbm>> -> memref<64x64xf32, #tpu.memory_space<hbm>>
        tpu.wait_dma2 semaphore(%arg13 : memref<!tpu.dma_semaphore, #tpu.memory_space<semaphore_mem>>) src(%dma_wait3A_263 : memref<64x64xf32, #tpu.memory_space<hbm>>) dst(%dma_wait3A_258 : memref<64x64xf32, #tpu.memory_space<vmem>>)
        %dma_start3A = arith.constant 0 : i32
        %dma_start3A_264 = arith.constant 0 : i32
        %dma_start3A_265 = tpu.memref_slice %arg8[%rem3A_245, %dma_start3A, %dma_start3A_264] : memref<8x64x64xf32, #tpu.memory_space<vmem>> -> memref<1x64x64xf32, #tpu.memory_space<vmem>>
        %dma_start3A_266 = tpu.memref_squeeze %dma_start3A_265 : memref<1x64x64xf32, #tpu.memory_space<vmem>> -> memref<64x64xf32, #tpu.memory_space<vmem>>
        %dma_start3A_267 = arith.constant 0 : i32
        %dma_start3A_268 = tpu.memref_slice %arg7[%sub3A_239, %dma_start3A_267] : memref<314x64xi32, #tpu.memory_space<vmem>> -> memref<1x64xi32, #tpu.memory_space<vmem>>
        %dma_start3A_269 = tpu.memref_squeeze %dma_start3A_268 : memref<1x64xi32, #tpu.memory_space<vmem>> -> memref<64xi32, #tpu.memory_space<vmem>>
        %dma_start3A_270 = arith.constant 0 : i32
        %dma_start3A_271 = arith.constant 0 : i32
        %dma_start3A_272 = tpu.memref_slice %arg11[%dma_start3A_270, %dma_start3A_271] : memref<10240x64xf32, #tpu.memory_space<vmem_shared>> -> memref<10240x64xf32, #tpu.memory_space<vmem_shared>>
        tpu.enqueue_indirect_dma source(%dma_start3A_266 : memref<64x64xf32, #tpu.memory_space<vmem>>) target(%dma_start3A_272 : memref<10240x64xf32, #tpu.memory_space<vmem_shared>>) offsets(%dma_start3A_269 : memref<64xi32, #tpu.memory_space<vmem>>) semaphore(%arg14 : memref<!tpu.dma_semaphore, #tpu.memory_space<semaphore_mem>>) {add = true}
        %rem3A_273 = arith.constant 2 : i32
        %rem3A_274 = arith.remsi %sub3A_239, %rem3A_273 : i32
        %eq3A = arith.cmpi eq, %arg0, %rem3A_274 : i32
        %convert_element_type3A_275 = arith.extui %eq3A : i1 to i32
        %cond3A_276 = arith.constant 0 : i32
        %cond3A_277 = arith.cmpi ne, %convert_element_type3A_275, %cond3A_276 : i32
        scf.if %cond3A_277 {
          %ge3A_278 = arith.constant 2 : i32
          %ge3A_279 = arith.cmpi sge, %sub3A_239, %ge3A_278 : i32
          %convert_element_type3A_280 = arith.extui %ge3A_279 : i1 to i32
          %cond3A_281 = arith.constant 0 : i32
          %cond3A_282 = arith.cmpi ne, %convert_element_type3A_280, %cond3A_281 : i32
          scf.if %cond3A_282 {
            %dma_wait3A_289 = arith.constant 0 : i32
            %dma_wait3A_290 = arith.constant 0 : i32
            %dma_wait3A_291 = tpu.memref_slice %arg12[%dma_wait3A_289, %dma_wait3A_290] : memref<10240x16xf32, #tpu.memory_space<vmem_shared>> -> memref<64x16xf32, #tpu.memory_space<vmem_shared>>
            %dma_wait3A_292 = arith.constant 0 : i32
            %dma_wait3A_293 = arith.constant 0 : i32
            %dma_wait3A_294 = tpu.memref_slice %arg12[%dma_wait3A_292, %dma_wait3A_293] : memref<10240x16xf32, #tpu.memory_space<vmem_shared>> -> memref<64x16xf32, #tpu.memory_space<vmem_shared>>
            tpu.wait_dma2 semaphore(%arg15 : memref<!tpu.dma_semaphore, #tpu.memory_space<semaphore_mem>>) src(%arg9 : memref<64x16xf32, #tpu.memory_space<vmem>>) dst(%dma_wait3A_294 : memref<64x16xf32, #tpu.memory_space<vmem_shared>>)
          } else {
          }
          %dma_start3A_283 = arith.constant 0 : i32
          %dma_start3A_284 = tpu.memref_slice %arg7[%sub3A_239, %dma_start3A_283] : memref<314x64xi32, #tpu.memory_space<vmem>> -> memref<1x64xi32, #tpu.memory_space<vmem>>
          %dma_start3A_285 = tpu.memref_squeeze %dma_start3A_284 : memref<1x64xi32, #tpu.memory_space<vmem>> -> memref<64xi32, #tpu.memory_space<vmem>>
          %dma_start3A_286 = arith.constant 0 : i32
          %dma_start3A_287 = arith.constant 0 : i32
          %dma_start3A_288 = tpu.memref_slice %arg12[%dma_start3A_286, %dma_start3A_287] : memref<10240x16xf32, #tpu.memory_space<vmem_shared>> -> memref<10240x16xf32, #tpu.memory_space<vmem_shared>>
          tpu.enqueue_indirect_dma source(%arg9 : memref<64x16xf32, #tpu.memory_space<vmem>>) target(%dma_start3A_288 : memref<10240x16xf32, #tpu.memory_space<vmem_shared>>) offsets(%dma_start3A_285 : memref<64xi32, #tpu.memory_space<vmem>>) semaphore(%arg15 : memref<!tpu.dma_semaphore, #tpu.memory_space<semaphore_mem>>) {add = true}
        } else {
        }
      } else {
      }
    }
    %scan3A_100 = arith.constant 318 : i32
    %dma_wait3A = arith.constant 0 : i32
    %dma_wait3A_101 = arith.constant 0 : i32
    %dma_wait3A_102 = arith.constant 0 : i32
    %dma_wait3A_103 = tpu.memref_slice %arg8[%dma_wait3A, %dma_wait3A_101, %dma_wait3A_102] : memref<8x64x64xf32, #tpu.memory_space<vmem>> -> memref<1x64x64xf32, #tpu.memory_space<vmem>>
    %dma_wait3A_104 = tpu.memref_squeeze %dma_wait3A_103 : memref<1x64x64xf32, #tpu.memory_space<vmem>> -> memref<64x64xf32, #tpu.memory_space<vmem>>
    %dma_wait3A_105 = arith.constant 0 : i32
    %dma_wait3A_106 = arith.constant 0 : i32
    %dma_wait3A_107 = tpu.memref_slice %arg11[%dma_wait3A_105, %dma_wait3A_106] : memref<10240x64xf32, #tpu.memory_space<vmem_shared>> -> memref<64x64xf32, #tpu.memory_space<vmem_shared>>
    %dma_wait3A_108 = arith.constant 0 : i32
    %dma_wait3A_109 = arith.constant 0 : i32
    %dma_wait3A_110 = tpu.memref_slice %arg11[%dma_wait3A_108, %dma_wait3A_109] : memref<10240x64xf32, #tpu.memory_space<vmem_shared>> -> memref<64x64xf32, #tpu.memory_space<vmem_shared>>
    %dma_wait3A_111 = arith.constant 0 : i32
    %dma_wait3A_112 = arith.constant 0 : i32
    %dma_wait3A_113 = tpu.memref_slice %arg8[%dma_wait3A, %dma_wait3A_111, %dma_wait3A_112] : memref<8x64x64xf32, #tpu.memory_space<vmem>> -> memref<1x64x64xf32, #tpu.memory_space<vmem>>
    %dma_wait3A_114 = tpu.memref_squeeze %dma_wait3A_113 : memref<1x64x64xf32, #tpu.memory_space<vmem>> -> memref<64x64xf32, #tpu.memory_space<vmem>>
    tpu.wait_dma2 semaphore(%arg14 : memref<!tpu.dma_semaphore, #tpu.memory_space<semaphore_mem>>) src(%dma_wait3A_114 : memref<64x64xf32, #tpu.memory_space<vmem>>) dst(%dma_wait3A_110 : memref<64x64xf32, #tpu.memory_space<vmem_shared>>)
    %dma_wait3A_115 = arith.constant 0 : i32
    %dma_wait3A_116 = arith.constant 0 : i32
    %dma_wait3A_117 = arith.constant 0 : i32
    %dma_wait3A_118 = tpu.memref_slice %arg8[%dma_wait3A_115, %dma_wait3A_116, %dma_wait3A_117] : memref<8x64x64xf32, #tpu.memory_space<vmem>> -> memref<1x64x64xf32, #tpu.memory_space<vmem>>
    %dma_wait3A_119 = tpu.memref_squeeze %dma_wait3A_118 : memref<1x64x64xf32, #tpu.memory_space<vmem>> -> memref<64x64xf32, #tpu.memory_space<vmem>>
    %dma_wait3A_120 = arith.constant 0 : i32
    %dma_wait3A_121 = arith.constant 0 : i32
    %dma_wait3A_122 = tpu.memref_slice %arg11[%dma_wait3A_120, %dma_wait3A_121] : memref<10240x64xf32, #tpu.memory_space<vmem_shared>> -> memref<64x64xf32, #tpu.memory_space<vmem_shared>>
    %dma_wait3A_123 = arith.constant 0 : i32
    %dma_wait3A_124 = arith.constant 0 : i32
    %dma_wait3A_125 = tpu.memref_slice %arg11[%dma_wait3A_123, %dma_wait3A_124] : memref<10240x64xf32, #tpu.memory_space<vmem_shared>> -> memref<64x64xf32, #tpu.memory_space<vmem_shared>>
    %dma_wait3A_126 = arith.constant 0 : i32
    %dma_wait3A_127 = arith.constant 0 : i32
    %dma_wait3A_128 = tpu.memref_slice %arg8[%dma_wait3A_115, %dma_wait3A_126, %dma_wait3A_127] : memref<8x64x64xf32, #tpu.memory_space<vmem>> -> memref<1x64x64xf32, #tpu.memory_space<vmem>>
    %dma_wait3A_129 = tpu.memref_squeeze %dma_wait3A_128 : memref<1x64x64xf32, #tpu.memory_space<vmem>> -> memref<64x64xf32, #tpu.memory_space<vmem>>
    tpu.wait_dma2 semaphore(%arg14 : memref<!tpu.dma_semaphore, #tpu.memory_space<semaphore_mem>>) src(%dma_wait3A_129 : memref<64x64xf32, #tpu.memory_space<vmem>>) dst(%dma_wait3A_125 : memref<64x64xf32, #tpu.memory_space<vmem_shared>>)
    %dma_wait3A_130 = arith.constant 0 : i32
    %dma_wait3A_131 = arith.constant 0 : i32
    %dma_wait3A_132 = arith.constant 0 : i32
    %dma_wait3A_133 = tpu.memref_slice %arg8[%dma_wait3A_130, %dma_wait3A_131, %dma_wait3A_132] : memref<8x64x64xf32, #tpu.memory_space<vmem>> -> memref<1x64x64xf32, #tpu.memory_space<vmem>>
    %dma_wait3A_134 = tpu.memref_squeeze %dma_wait3A_133 : memref<1x64x64xf32, #tpu.memory_space<vmem>> -> memref<64x64xf32, #tpu.memory_space<vmem>>
    %dma_wait3A_135 = arith.constant 0 : i32
    %dma_wait3A_136 = arith.constant 0 : i32
    %dma_wait3A_137 = tpu.memref_slice %arg11[%dma_wait3A_135, %dma_wait3A_136] : memref<10240x64xf32, #tpu.memory_space<vmem_shared>> -> memref<64x64xf32, #tpu.memory_space<vmem_shared>>
    %dma_wait3A_138 = arith.constant 0 : i32
    %dma_wait3A_139 = arith.constant 0 : i32
    %dma_wait3A_140 = tpu.memref_slice %arg11[%dma_wait3A_138, %dma_wait3A_139] : memref<10240x64xf32, #tpu.memory_space<vmem_shared>> -> memref<64x64xf32, #tpu.memory_space<vmem_shared>>
    %dma_wait3A_141 = arith.constant 0 : i32
    %dma_wait3A_142 = arith.constant 0 : i32
    %dma_wait3A_143 = tpu.memref_slice %arg8[%dma_wait3A_130, %dma_wait3A_141, %dma_wait3A_142] : memref<8x64x64xf32, #tpu.memory_space<vmem>> -> memref<1x64x64xf32, #tpu.memory_space<vmem>>
    %dma_wait3A_144 = tpu.memref_squeeze %dma_wait3A_143 : memref<1x64x64xf32, #tpu.memory_space<vmem>> -> memref<64x64xf32, #tpu.memory_space<vmem>>
    tpu.wait_dma2 semaphore(%arg14 : memref<!tpu.dma_semaphore, #tpu.memory_space<semaphore_mem>>) src(%dma_wait3A_144 : memref<64x64xf32, #tpu.memory_space<vmem>>) dst(%dma_wait3A_140 : memref<64x64xf32, #tpu.memory_space<vmem_shared>>)
    %dma_wait3A_145 = arith.constant 0 : i32
    %dma_wait3A_146 = arith.constant 0 : i32
    %dma_wait3A_147 = arith.constant 0 : i32
    %dma_wait3A_148 = tpu.memref_slice %arg8[%dma_wait3A_145, %dma_wait3A_146, %dma_wait3A_147] : memref<8x64x64xf32, #tpu.memory_space<vmem>> -> memref<1x64x64xf32, #tpu.memory_space<vmem>>
    %dma_wait3A_149 = tpu.memref_squeeze %dma_wait3A_148 : memref<1x64x64xf32, #tpu.memory_space<vmem>> -> memref<64x64xf32, #tpu.memory_space<vmem>>
    %dma_wait3A_150 = arith.constant 0 : i32
    %dma_wait3A_151 = arith.constant 0 : i32
    %dma_wait3A_152 = tpu.memref_slice %arg11[%dma_wait3A_150, %dma_wait3A_151] : memref<10240x64xf32, #tpu.memory_space<vmem_shared>> -> memref<64x64xf32, #tpu.memory_space<vmem_shared>>
    %dma_wait3A_153 = arith.constant 0 : i32
    %dma_wait3A_154 = arith.constant 0 : i32
    %dma_wait3A_155 = tpu.memref_slice %arg11[%dma_wait3A_153, %dma_wait3A_154] : memref<10240x64xf32, #tpu.memory_space<vmem_shared>> -> memref<64x64xf32, #tpu.memory_space<vmem_shared>>
    %dma_wait3A_156 = arith.constant 0 : i32
    %dma_wait3A_157 = arith.constant 0 : i32
    %dma_wait3A_158 = tpu.memref_slice %arg8[%dma_wait3A_145, %dma_wait3A_156, %dma_wait3A_157] : memref<8x64x64xf32, #tpu.memory_space<vmem>> -> memref<1x64x64xf32, #tpu.memory_space<vmem>>
    %dma_wait3A_159 = tpu.memref_squeeze %dma_wait3A_158 : memref<1x64x64xf32, #tpu.memory_space<vmem>> -> memref<64x64xf32, #tpu.memory_space<vmem>>
    tpu.wait_dma2 semaphore(%arg14 : memref<!tpu.dma_semaphore, #tpu.memory_space<semaphore_mem>>) src(%dma_wait3A_159 : memref<64x64xf32, #tpu.memory_space<vmem>>) dst(%dma_wait3A_155 : memref<64x64xf32, #tpu.memory_space<vmem_shared>>)
    %dma_wait3A_160 = arith.constant 0 : i32
    %dma_wait3A_161 = arith.constant 0 : i32
    %dma_wait3A_162 = arith.constant 0 : i32
    %dma_wait3A_163 = tpu.memref_slice %arg8[%dma_wait3A_160, %dma_wait3A_161, %dma_wait3A_162] : memref<8x64x64xf32, #tpu.memory_space<vmem>> -> memref<1x64x64xf32, #tpu.memory_space<vmem>>
    %dma_wait3A_164 = tpu.memref_squeeze %dma_wait3A_163 : memref<1x64x64xf32, #tpu.memory_space<vmem>> -> memref<64x64xf32, #tpu.memory_space<vmem>>
    %dma_wait3A_165 = arith.constant 0 : i32
    %dma_wait3A_166 = arith.constant 0 : i32
    %dma_wait3A_167 = tpu.memref_slice %arg11[%dma_wait3A_165, %dma_wait3A_166] : memref<10240x64xf32, #tpu.memory_space<vmem_shared>> -> memref<64x64xf32, #tpu.memory_space<vmem_shared>>
    %dma_wait3A_168 = arith.constant 0 : i32
    %dma_wait3A_169 = arith.constant 0 : i32
    %dma_wait3A_170 = tpu.memref_slice %arg11[%dma_wait3A_168, %dma_wait3A_169] : memref<10240x64xf32, #tpu.memory_space<vmem_shared>> -> memref<64x64xf32, #tpu.memory_space<vmem_shared>>
    %dma_wait3A_171 = arith.constant 0 : i32
    %dma_wait3A_172 = arith.constant 0 : i32
    %dma_wait3A_173 = tpu.memref_slice %arg8[%dma_wait3A_160, %dma_wait3A_171, %dma_wait3A_172] : memref<8x64x64xf32, #tpu.memory_space<vmem>> -> memref<1x64x64xf32, #tpu.memory_space<vmem>>
    %dma_wait3A_174 = tpu.memref_squeeze %dma_wait3A_173 : memref<1x64x64xf32, #tpu.memory_space<vmem>> -> memref<64x64xf32, #tpu.memory_space<vmem>>
    tpu.wait_dma2 semaphore(%arg14 : memref<!tpu.dma_semaphore, #tpu.memory_space<semaphore_mem>>) src(%dma_wait3A_174 : memref<64x64xf32, #tpu.memory_space<vmem>>) dst(%dma_wait3A_170 : memref<64x64xf32, #tpu.memory_space<vmem_shared>>)
    %dma_wait3A_175 = arith.constant 0 : i32
    %dma_wait3A_176 = arith.constant 0 : i32
    %dma_wait3A_177 = arith.constant 0 : i32
    %dma_wait3A_178 = tpu.memref_slice %arg8[%dma_wait3A_175, %dma_wait3A_176, %dma_wait3A_177] : memref<8x64x64xf32, #tpu.memory_space<vmem>> -> memref<1x64x64xf32, #tpu.memory_space<vmem>>
    %dma_wait3A_179 = tpu.memref_squeeze %dma_wait3A_178 : memref<1x64x64xf32, #tpu.memory_space<vmem>> -> memref<64x64xf32, #tpu.memory_space<vmem>>
    %dma_wait3A_180 = arith.constant 0 : i32
    %dma_wait3A_181 = arith.constant 0 : i32
    %dma_wait3A_182 = tpu.memref_slice %arg11[%dma_wait3A_180, %dma_wait3A_181] : memref<10240x64xf32, #tpu.memory_space<vmem_shared>> -> memref<64x64xf32, #tpu.memory_space<vmem_shared>>
    %dma_wait3A_183 = arith.constant 0 : i32
    %dma_wait3A_184 = arith.constant 0 : i32
    %dma_wait3A_185 = tpu.memref_slice %arg11[%dma_wait3A_183, %dma_wait3A_184] : memref<10240x64xf32, #tpu.memory_space<vmem_shared>> -> memref<64x64xf32, #tpu.memory_space<vmem_shared>>
    %dma_wait3A_186 = arith.constant 0 : i32
    %dma_wait3A_187 = arith.constant 0 : i32
    %dma_wait3A_188 = tpu.memref_slice %arg8[%dma_wait3A_175, %dma_wait3A_186, %dma_wait3A_187] : memref<8x64x64xf32, #tpu.memory_space<vmem>> -> memref<1x64x64xf32, #tpu.memory_space<vmem>>
    %dma_wait3A_189 = tpu.memref_squeeze %dma_wait3A_188 : memref<1x64x64xf32, #tpu.memory_space<vmem>> -> memref<64x64xf32, #tpu.memory_space<vmem>>
    tpu.wait_dma2 semaphore(%arg14 : memref<!tpu.dma_semaphore, #tpu.memory_space<semaphore_mem>>) src(%dma_wait3A_189 : memref<64x64xf32, #tpu.memory_space<vmem>>) dst(%dma_wait3A_185 : memref<64x64xf32, #tpu.memory_space<vmem_shared>>)
    %dma_wait3A_190 = arith.constant 0 : i32
    %dma_wait3A_191 = arith.constant 0 : i32
    %dma_wait3A_192 = arith.constant 0 : i32
    %dma_wait3A_193 = tpu.memref_slice %arg8[%dma_wait3A_190, %dma_wait3A_191, %dma_wait3A_192] : memref<8x64x64xf32, #tpu.memory_space<vmem>> -> memref<1x64x64xf32, #tpu.memory_space<vmem>>
    %dma_wait3A_194 = tpu.memref_squeeze %dma_wait3A_193 : memref<1x64x64xf32, #tpu.memory_space<vmem>> -> memref<64x64xf32, #tpu.memory_space<vmem>>
    %dma_wait3A_195 = arith.constant 0 : i32
    %dma_wait3A_196 = arith.constant 0 : i32
    %dma_wait3A_197 = tpu.memref_slice %arg11[%dma_wait3A_195, %dma_wait3A_196] : memref<10240x64xf32, #tpu.memory_space<vmem_shared>> -> memref<64x64xf32, #tpu.memory_space<vmem_shared>>
    %dma_wait3A_198 = arith.constant 0 : i32
    %dma_wait3A_199 = arith.constant 0 : i32
    %dma_wait3A_200 = tpu.memref_slice %arg11[%dma_wait3A_198, %dma_wait3A_199] : memref<10240x64xf32, #tpu.memory_space<vmem_shared>> -> memref<64x64xf32, #tpu.memory_space<vmem_shared>>
    %dma_wait3A_201 = arith.constant 0 : i32
    %dma_wait3A_202 = arith.constant 0 : i32
    %dma_wait3A_203 = tpu.memref_slice %arg8[%dma_wait3A_190, %dma_wait3A_201, %dma_wait3A_202] : memref<8x64x64xf32, #tpu.memory_space<vmem>> -> memref<1x64x64xf32, #tpu.memory_space<vmem>>
    %dma_wait3A_204 = tpu.memref_squeeze %dma_wait3A_203 : memref<1x64x64xf32, #tpu.memory_space<vmem>> -> memref<64x64xf32, #tpu.memory_space<vmem>>
    tpu.wait_dma2 semaphore(%arg14 : memref<!tpu.dma_semaphore, #tpu.memory_space<semaphore_mem>>) src(%dma_wait3A_204 : memref<64x64xf32, #tpu.memory_space<vmem>>) dst(%dma_wait3A_200 : memref<64x64xf32, #tpu.memory_space<vmem_shared>>)
    %dma_wait3A_205 = arith.constant 0 : i32
    %dma_wait3A_206 = arith.constant 0 : i32
    %dma_wait3A_207 = arith.constant 0 : i32
    %dma_wait3A_208 = tpu.memref_slice %arg8[%dma_wait3A_205, %dma_wait3A_206, %dma_wait3A_207] : memref<8x64x64xf32, #tpu.memory_space<vmem>> -> memref<1x64x64xf32, #tpu.memory_space<vmem>>
    %dma_wait3A_209 = tpu.memref_squeeze %dma_wait3A_208 : memref<1x64x64xf32, #tpu.memory_space<vmem>> -> memref<64x64xf32, #tpu.memory_space<vmem>>
    %dma_wait3A_210 = arith.constant 0 : i32
    %dma_wait3A_211 = arith.constant 0 : i32
    %dma_wait3A_212 = tpu.memref_slice %arg11[%dma_wait3A_210, %dma_wait3A_211] : memref<10240x64xf32, #tpu.memory_space<vmem_shared>> -> memref<64x64xf32, #tpu.memory_space<vmem_shared>>
    %dma_wait3A_213 = arith.constant 0 : i32
    %dma_wait3A_214 = arith.constant 0 : i32
    %dma_wait3A_215 = tpu.memref_slice %arg11[%dma_wait3A_213, %dma_wait3A_214] : memref<10240x64xf32, #tpu.memory_space<vmem_shared>> -> memref<64x64xf32, #tpu.memory_space<vmem_shared>>
    %dma_wait3A_216 = arith.constant 0 : i32
    %dma_wait3A_217 = arith.constant 0 : i32
    %dma_wait3A_218 = tpu.memref_slice %arg8[%dma_wait3A_205, %dma_wait3A_216, %dma_wait3A_217] : memref<8x64x64xf32, #tpu.memory_space<vmem>> -> memref<1x64x64xf32, #tpu.memory_space<vmem>>
    %dma_wait3A_219 = tpu.memref_squeeze %dma_wait3A_218 : memref<1x64x64xf32, #tpu.memory_space<vmem>> -> memref<64x64xf32, #tpu.memory_space<vmem>>
    tpu.wait_dma2 semaphore(%arg14 : memref<!tpu.dma_semaphore, #tpu.memory_space<semaphore_mem>>) src(%dma_wait3A_219 : memref<64x64xf32, #tpu.memory_space<vmem>>) dst(%dma_wait3A_215 : memref<64x64xf32, #tpu.memory_space<vmem_shared>>)
    %dma_wait3A_220 = arith.constant 0 : i32
    %dma_wait3A_221 = arith.constant 0 : i32
    %dma_wait3A_222 = tpu.memref_slice %arg12[%dma_wait3A_220, %dma_wait3A_221] : memref<10240x16xf32, #tpu.memory_space<vmem_shared>> -> memref<64x16xf32, #tpu.memory_space<vmem_shared>>
    %dma_wait3A_223 = arith.constant 0 : i32
    %dma_wait3A_224 = arith.constant 0 : i32
    %dma_wait3A_225 = tpu.memref_slice %arg12[%dma_wait3A_223, %dma_wait3A_224] : memref<10240x16xf32, #tpu.memory_space<vmem_shared>> -> memref<64x16xf32, #tpu.memory_space<vmem_shared>>
    tpu.wait_dma2 semaphore(%arg15 : memref<!tpu.dma_semaphore, #tpu.memory_space<semaphore_mem>>) src(%arg9 : memref<64x16xf32, #tpu.memory_space<vmem>>) dst(%dma_wait3A_225 : memref<64x16xf32, #tpu.memory_space<vmem_shared>>)
    %barrier3A_226 = arith.constant 0 : index
    tpu.barrier barrier_id(%barrier3A_226)
    %mul3A_227 = arith.constant 640 : i32
    %mul3A_228 = arith.muli %arg1, %mul3A_227 : i32
    %mul3A_229 = arith.constant 640 : i32
    %mul3A_230 = arith.muli %arg1, %mul3A_229 : i32
    "tpu.region"() ({
      %run_scoped3A_235 = tpu.sem_alloc : memref<!tpu.dma_semaphore, #tpu.memory_space<semaphore_mem>>
      %dma_start3A = arith.constant 0 : i32
      %dma_start3A_236 = tpu.memref_slice %arg5[%arg0, %mul3A_230, %dma_start3A] : memref<2x10240x80xf32, #tpu.memory_space<hbm>> -> memref<1x640x64xf32, #tpu.memory_space<hbm>>
      %dma_start3A_237 = tpu.memref_squeeze %dma_start3A_236 : memref<1x640x64xf32, #tpu.memory_space<hbm>> -> memref<640x64xf32, #tpu.memory_space<hbm>>
      %dma_start3A_238 = arith.constant 0 : i32
      %dma_start3A_239 = tpu.memref_slice %arg11[%mul3A_228, %dma_start3A_238] : memref<10240x64xf32, #tpu.memory_space<vmem_shared>> -> memref<640x64xf32, #tpu.memory_space<vmem_shared>>
      tpu.enqueue_dma source(%dma_start3A_239 : memref<640x64xf32, #tpu.memory_space<vmem_shared>>) target(%dma_start3A_237 : memref<640x64xf32, #tpu.memory_space<hbm>>) target_semaphore(%run_scoped3A_235 : memref<!tpu.dma_semaphore, #tpu.memory_space<semaphore_mem>>)
      %dma_wait3A_240 = arith.constant 0 : i32
      %dma_wait3A_241 = tpu.memref_slice %arg5[%arg0, %mul3A_230, %dma_wait3A_240] : memref<2x10240x80xf32, #tpu.memory_space<hbm>> -> memref<1x640x64xf32, #tpu.memory_space<hbm>>
      %dma_wait3A_242 = tpu.memref_squeeze %dma_wait3A_241 : memref<1x640x64xf32, #tpu.memory_space<hbm>> -> memref<640x64xf32, #tpu.memory_space<hbm>>
      %dma_wait3A_243 = arith.constant 0 : i32
      %dma_wait3A_244 = tpu.memref_slice %arg11[%mul3A_228, %dma_wait3A_243] : memref<10240x64xf32, #tpu.memory_space<vmem_shared>> -> memref<640x64xf32, #tpu.memory_space<vmem_shared>>
      tpu.wait_dma2 semaphore(%run_scoped3A_235 : memref<!tpu.dma_semaphore, #tpu.memory_space<semaphore_mem>>) src(%dma_wait3A_244 : memref<640x64xf32, #tpu.memory_space<vmem_shared>>) dst(%dma_wait3A_242 : memref<640x64xf32, #tpu.memory_space<hbm>>)
      tpu.yield
    }) : () -> ()
    %mul3A_231 = arith.constant 640 : i32
    %mul3A_232 = arith.muli %arg1, %mul3A_231 : i32
    %mul3A_233 = arith.constant 640 : i32
    %mul3A_234 = arith.muli %arg1, %mul3A_233 : i32
    "tpu.region"() ({
      %run_scoped3A_235 = tpu.sem_alloc : memref<!tpu.dma_semaphore, #tpu.memory_space<semaphore_mem>>
      %dma_start3A = arith.constant 64 : i32
      %dma_start3A_236 = tpu.memref_slice %arg5[%arg0, %mul3A_234, %dma_start3A] : memref<2x10240x80xf32, #tpu.memory_space<hbm>> -> memref<1x640x16xf32, #tpu.memory_space<hbm>>
      %dma_start3A_237 = tpu.memref_squeeze %dma_start3A_236 : memref<1x640x16xf32, #tpu.memory_space<hbm>> -> memref<640x16xf32, #tpu.memory_space<hbm>>
      %dma_start3A_238 = arith.constant 0 : i32
      %dma_start3A_239 = tpu.memref_slice %arg12[%mul3A_232, %dma_start3A_238] : memref<10240x16xf32, #tpu.memory_space<vmem_shared>> -> memref<640x16xf32, #tpu.memory_space<vmem_shared>>
      tpu.enqueue_dma source(%dma_start3A_239 : memref<640x16xf32, #tpu.memory_space<vmem_shared>>) target(%dma_start3A_237 : memref<640x16xf32, #tpu.memory_space<hbm>>) target_semaphore(%run_scoped3A_235 : memref<!tpu.dma_semaphore, #tpu.memory_space<semaphore_mem>>)
      %dma_wait3A_240 = arith.constant 64 : i32
      %dma_wait3A_241 = tpu.memref_slice %arg5[%arg0, %mul3A_234, %dma_wait3A_240] : memref<2x10240x80xf32, #tpu.memory_space<hbm>> -> memref<1x640x16xf32, #tpu.memory_space<hbm>>
      %dma_wait3A_242 = tpu.memref_squeeze %dma_wait3A_241 : memref<1x640x16xf32, #tpu.memory_space<hbm>> -> memref<640x16xf32, #tpu.memory_space<hbm>>
      %dma_wait3A_243 = arith.constant 0 : i32
      %dma_wait3A_244 = tpu.memref_slice %arg12[%mul3A_232, %dma_wait3A_243] : memref<10240x16xf32, #tpu.memory_space<vmem_shared>> -> memref<640x16xf32, #tpu.memory_space<vmem_shared>>
      tpu.wait_dma2 semaphore(%run_scoped3A_235 : memref<!tpu.dma_semaphore, #tpu.memory_space<semaphore_mem>>) src(%dma_wait3A_244 : memref<640x16xf32, #tpu.memory_space<vmem_shared>>) dst(%dma_wait3A_242 : memref<640x16xf32, #tpu.memory_space<hbm>>)
      tpu.yield
    }) : () -> ()
    return
  }
}

module attributes {stable_mosaic.version = 14 : i64} {
  func.func @_tc_body(%arg0: i32, %arg1: memref<1x1000x80xf32, #tpu.memory_space<vmem>>, %arg2: memref<1x1000x80xf32, #tpu.memory_space<vmem>>, %arg3: memref<1000x128xf32, #tpu.memory_space<vmem>>, %arg4: memref<128x64xf32, #tpu.memory_space<vmem>>, %arg5: memref<128x64xf32, #tpu.memory_space<vmem>>, %arg6: memref<128x128xf32, #tpu.memory_space<vmem>>, %arg7: memref<128x128xf32, #tpu.memory_space<vmem>>, %arg8: memref<1x128xf32, #tpu.memory_space<vmem>>, %arg9: memref<1x128xf32, #tpu.memory_space<vmem>>, %arg10: memref<1000x128xf32, #tpu.memory_space<vmem>>) attributes {dimension_semantics = [#tpu.dimension_semantics<arbitrary>], iteration_bounds = array<i64: 10>, scalar_prefetch = 0 : i64, scratch_operands = 0 : i64, tpu.core_type = #tpu.core_type<tc>, window_params = [{transform_indices = @transform_0, window_bounds = array<i64: 1, 1000, 80>}, {transform_indices = @transform_1, window_bounds = array<i64: 1, 1000, 80>}, {transform_indices = @transform_2, window_bounds = array<i64: 1000, 128>}, {pipeline_mode = #tpu.pipeline_mode<synchronous>, transform_indices = @transform_3, window_bounds = array<i64: 128, 64>}, {pipeline_mode = #tpu.pipeline_mode<synchronous>, transform_indices = @transform_4, window_bounds = array<i64: 128, 64>}, {pipeline_mode = #tpu.pipeline_mode<synchronous>, transform_indices = @transform_5, window_bounds = array<i64: 128, 128>}, {pipeline_mode = #tpu.pipeline_mode<synchronous>, transform_indices = @transform_6, window_bounds = array<i64: 128, 128>}, {pipeline_mode = #tpu.pipeline_mode<synchronous>, transform_indices = @transform_7, window_bounds = array<i64: 1, 128>}, {pipeline_mode = #tpu.pipeline_mode<synchronous>, transform_indices = @transform_8, window_bounds = array<i64: 1, 128>}, {transform_indices = @transform_9, window_bounds = array<i64: 1000, 128>}]} {
    %get3A = arith.constant 0 : index
    %get3A_0 = arith.constant 0 : index
    %get3A_1 = arith.constant 64 : index
    %get3A_2 = vector.load %arg1[%get3A, %get3A_0, %get3A_1] : memref<1x1000x80xf32, #tpu.memory_space<vmem>>, vector<1x1000x1xf32>
    %get3A_3 = vector.shape_cast %get3A_2 : vector<1x1000x1xf32> to vector<1000x1xf32>
    %get3A_4 = arith.constant 0 : index
    %get3A_5 = arith.constant 0 : index
    %get3A_6 = arith.constant 64 : index
    %get3A_7 = vector.load %arg2[%get3A_4, %get3A_5, %get3A_6] : memref<1x1000x80xf32, #tpu.memory_space<vmem>>, vector<1x1000x1xf32>
    %get3A_8 = vector.shape_cast %get3A_7 : vector<1x1000x1xf32> to vector<1000x1xf32>
    %add3A = arith.addf %get3A_3, %get3A_8 : vector<1000x1xf32>
    %max3A = arith.constant 1.000000e+00 : f32
    %max3A_9 = vector.broadcast %max3A : f32 to vector<1000x1xf32>
    %max3A_10 = arith.maximumf %add3A, %max3A_9 : vector<1000x1xf32>
    %div3A = arith.constant 1.000000e+00 : f32
    %div3A_11 = vector.broadcast %div3A : f32 to vector<1000x1xf32>
    %div3A_12 = arith.divf %div3A_11, %max3A_10 : vector<1000x1xf32>
    %get3A_13 = arith.constant 0 : index
    %get3A_14 = arith.constant 0 : index
    %get3A_15 = arith.constant 0 : index
    %get3A_16 = vector.load %arg1[%get3A_13, %get3A_14, %get3A_15] : memref<1x1000x80xf32, #tpu.memory_space<vmem>>, vector<1x1000x64xf32>
    %get3A_17 = vector.shape_cast %get3A_16 : vector<1x1000x64xf32> to vector<1000x64xf32>
    %mul3A = vector.broadcast %div3A_12 : vector<1000x1xf32> to vector<1000x64xf32>
    %mul3A_18 = arith.mulf %get3A_17, %mul3A : vector<1000x64xf32>
    %get3A_19 = arith.constant 0 : index
    %get3A_20 = arith.constant 0 : index
    %get3A_21 = arith.constant 0 : index
    %get3A_22 = vector.load %arg2[%get3A_19, %get3A_20, %get3A_21] : memref<1x1000x80xf32, #tpu.memory_space<vmem>>, vector<1x1000x64xf32>
    %get3A_23 = vector.shape_cast %get3A_22 : vector<1x1000x64xf32> to vector<1000x64xf32>
    %mul3A_24 = vector.broadcast %div3A_12 : vector<1000x1xf32> to vector<1000x64xf32>
    %mul3A_25 = arith.mulf %get3A_23, %mul3A_24 : vector<1000x64xf32>
    %get3A_26 = arith.constant 0 : index
    %get3A_27 = arith.constant 0 : index
    %get3A_28 = vector.load %arg4[%get3A_26, %get3A_27] : memref<128x64xf32, #tpu.memory_space<vmem>>, vector<128x64xf32>
    %dot_general3A = arith.constant dense<0.000000e+00> : vector<1000x128xf32>
    %dot_general3A_29 = tpu.matmul %mul3A_18, %get3A_28, %dot_general3A {dimension_numbers = #tpu.dot_dimension_numbers<[1], [1], [0], [0], [0, 0, 1, 0], [], []>, transpose_lhs_hint = false} : vector<1000x64xf32>, vector<128x64xf32>, vector<1000x128xf32> -> vector<1000x128xf32>
    %get3A_30 = arith.constant 0 : index
    %get3A_31 = arith.constant 0 : index
    %get3A_32 = vector.load %arg5[%get3A_30, %get3A_31] : memref<128x64xf32, #tpu.memory_space<vmem>>, vector<128x64xf32>
    %dot_general3A_33 = arith.constant dense<0.000000e+00> : vector<1000x128xf32>
    %dot_general3A_34 = tpu.matmul %mul3A_25, %get3A_32, %dot_general3A_33 {dimension_numbers = #tpu.dot_dimension_numbers<[1], [1], [0], [0], [0, 0, 1, 0], [], []>, transpose_lhs_hint = false} : vector<1000x64xf32>, vector<128x64xf32>, vector<1000x128xf32> -> vector<1000x128xf32>
    %add3A_35 = arith.addf %dot_general3A_29, %dot_general3A_34 : vector<1000x128xf32>
    %get3A_36 = arith.constant 0 : index
    %get3A_37 = arith.constant 0 : index
    %get3A_38 = vector.load %arg3[%get3A_36, %get3A_37] : memref<1000x128xf32, #tpu.memory_space<vmem>>, vector<1000x128xf32>
    %get3A_39 = arith.constant 0 : index
    %get3A_40 = arith.constant 0 : index
    %get3A_41 = vector.load %arg6[%get3A_39, %get3A_40] : memref<128x128xf32, #tpu.memory_space<vmem>>, vector<128x128xf32>
    %dot_general3A_42 = arith.constant dense<0.000000e+00> : vector<1000x128xf32>
    %dot_general3A_43 = tpu.matmul %get3A_38, %get3A_41, %dot_general3A_42 {dimension_numbers = #tpu.dot_dimension_numbers<[1], [1], [0], [0], [0, 0, 1, 0], [], []>, transpose_lhs_hint = false} : vector<1000x128xf32>, vector<128x128xf32>, vector<1000x128xf32> -> vector<1000x128xf32>
    %add3A_44 = arith.addf %add3A_35, %dot_general3A_43 : vector<1000x128xf32>
    %get3A_45 = arith.constant 0 : index
    %get3A_46 = arith.constant 0 : index
    %get3A_47 = vector.load %arg8[%get3A_45, %get3A_46] : memref<1x128xf32, #tpu.memory_space<vmem>>, vector<1x128xf32>
    %add3A_48 = vector.broadcast %get3A_47 : vector<1x128xf32> to vector<1000x128xf32>
    %add3A_49 = arith.addf %add3A_44, %add3A_48 : vector<1000x128xf32>
    %max3A_50 = arith.constant 0.000000e+00 : f32
    %max3A_51 = vector.broadcast %max3A_50 : f32 to vector<1000x128xf32>
    %max3A_52 = arith.maximumf %add3A_49, %max3A_51 : vector<1000x128xf32>
    %get3A_53 = arith.constant 0 : index
    %get3A_54 = arith.constant 0 : index
    %get3A_55 = vector.load %arg7[%get3A_53, %get3A_54] : memref<128x128xf32, #tpu.memory_space<vmem>>, vector<128x128xf32>
    %dot_general3A_56 = arith.constant dense<0.000000e+00> : vector<1000x128xf32>
    %dot_general3A_57 = tpu.matmul %max3A_52, %get3A_55, %dot_general3A_56 {dimension_numbers = #tpu.dot_dimension_numbers<[1], [1], [0], [0], [0, 0, 1, 0], [], []>, transpose_lhs_hint = false} : vector<1000x128xf32>, vector<128x128xf32>, vector<1000x128xf32> -> vector<1000x128xf32>
    %get3A_58 = arith.constant 0 : index
    %get3A_59 = arith.constant 0 : index
    %get3A_60 = vector.load %arg9[%get3A_58, %get3A_59] : memref<1x128xf32, #tpu.memory_space<vmem>>, vector<1x128xf32>
    %add3A_61 = vector.broadcast %get3A_60 : vector<1x128xf32> to vector<1000x128xf32>
    %add3A_62 = arith.addf %dot_general3A_57, %add3A_61 : vector<1000x128xf32>
    %swap3A = arith.constant 0 : index
    %swap3A_63 = arith.constant 0 : index
    %swap3A_64 = vector.load %arg10[%swap3A, %swap3A_63] : memref<1000x128xf32, #tpu.memory_space<vmem>>, vector<1000x128xf32>
    tpu.vector_store %arg10[%swap3A, %swap3A_63], %add3A_62 {strides = array<i32>} : memref<1000x128xf32, #tpu.memory_space<vmem>>, vector<1000x128xf32>,
    return
  }
  func.func @transform_0(%arg0: i32) -> (i32, i32, i32) {
    %c0_i32 = arith.constant 0 : i32
    %c0_i32_0 = arith.constant 0 : i32
    %c0_i32_1 = arith.constant 0 : i32
    return %c0_i32, %arg0, %c0_i32_0 : i32, i32, i32
  }
  func.func @transform_1(%arg0: i32) -> (i32, i32, i32) {
    %c1_i32 = arith.constant 1 : i32
    %c0_i32 = arith.constant 0 : i32
    %c0_i32_0 = arith.constant 0 : i32
    return %c1_i32, %arg0, %c0_i32 : i32, i32, i32
  }
  func.func @transform_2(%arg0: i32) -> (i32, i32) {
    %c0_i32 = arith.constant 0 : i32
    %c0_i32_0 = arith.constant 0 : i32
    return %arg0, %c0_i32 : i32, i32
  }
  func.func @transform_3(%arg0: i32) -> (i32, i32) {
    %c0_i32 = arith.constant 0 : i32
    %c0_i32_0 = arith.constant 0 : i32
    %c0_i32_1 = arith.constant 0 : i32
    return %c0_i32, %c0_i32_0 : i32, i32
  }
  func.func @transform_4(%arg0: i32) -> (i32, i32) {
    %c0_i32 = arith.constant 0 : i32
    %c0_i32_0 = arith.constant 0 : i32
    %c0_i32_1 = arith.constant 0 : i32
    return %c0_i32, %c0_i32_0 : i32, i32
  }
  func.func @transform_5(%arg0: i32) -> (i32, i32) {
    %c0_i32 = arith.constant 0 : i32
    %c0_i32_0 = arith.constant 0 : i32
    %c0_i32_1 = arith.constant 0 : i32
    return %c0_i32, %c0_i32_0 : i32, i32
  }
  func.func @transform_6(%arg0: i32) -> (i32, i32) {
    %c0_i32 = arith.constant 0 : i32
    %c0_i32_0 = arith.constant 0 : i32
    %c0_i32_1 = arith.constant 0 : i32
    return %c0_i32, %c0_i32_0 : i32, i32
  }
  func.func @transform_7(%arg0: i32) -> (i32, i32) {
    %c0_i32 = arith.constant 0 : i32
    %c0_i32_0 = arith.constant 0 : i32
    %c0_i32_1 = arith.constant 0 : i32
    return %c0_i32, %c0_i32_0 : i32, i32
  }
  func.func @transform_8(%arg0: i32) -> (i32, i32) {
    %c0_i32 = arith.constant 0 : i32
    %c0_i32_0 = arith.constant 0 : i32
    %c0_i32_1 = arith.constant 0 : i32
    return %c0_i32, %c0_i32_0 : i32, i32
  }
  func.func @transform_9(%arg0: i32) -> (i32, i32) {
    %c0_i32 = arith.constant 0 : i32
    %c0_i32_0 = arith.constant 0 : i32
    return %arg0, %c0_i32 : i32, i32
  }
}

</mosaic_0001>

<sc_bundles>
// kernel: kernel.4.cloned.1.call-start
scs
__scs_entry_jumppad:
0x0: {  	(pc) =	sbr.rel $0x88, $3  }
0x1: {  	(tag) =	ssettag $0x0;
	lr =	simm.s32 $0x1  }
0x2: {  	[smem:$0x3F99] =	sst lr;
	_ =	strace $0xD0000000  }
0x3: {  	_ = 	snop  }
0x4: {  	_ = 	snop  }
0x5: {  	_ = 	snop  }
0x6: {  	_ = 	snop  }
0x7: {  	_ = 	snop  }
__scs_overlays_trampoline_lowered:
0x8: {  	[smem:$0x3FA8] =	sst s0  }
0x9: {  	[smem:$0x3FA9] =	sst s1  }
0xa: {  	[smem:$0x3FAA] =	sst s2  }
0xb: {  	[smem:$0x3FAB] =	sst s3  }
0xc: {  	[smem:$0x3FAC] =	sst s4  }
0xd: {  	[smem:$0x3FAD] =	sst s5  }
0xe: {  	[smem:$0x3FAE] =	sst s6  }
0xf: {  	[smem:$0x3FAF] =	sst s7  }
0x10: {  	[smem:$0x3FB0] =	sst s8  }
0x11: {  	[smem:$0x3FB1] =	sst s9;
	s0 =	simm.s32 @!p0 $0x0  }
0x12: {  	s1 =	sld [smem:$0x3F97];
	s0 =	simm.s32 @p0 $0x1  }
0x13: {  	[smem:$0x3FB2] =	sst s0;
	s0 =	simm.s32 @!p1 $0x0  }
0x14: {  	s2 =	sld [smem:$0x3F96];
	s0 =	simm.s32 @p1 $0x1  }
0x15: {  	[smem:$0x3FB3] =	sst s0;
	s0 =	simm.s32 @!p2 $0x0  }
0x16: {  	s3 =	sld [smem:$0x3FDB];
	s0 =	simm.s32 @p2 $0x1  }
0x17: {  	s4 =	simm.s32 $0x1BF5;
	[smem:$0x3FB5] =	sst s0  }
0x18: {  	s0 =	sld [smem:$0x3F98];
	_ =	swait.ge [sflag:s4], $0x0  }
0x19: {  	s7 =	sld [smem:$0x3F99]  }
0x1a: {  	s8 =	sadd.s32 $0xFFFFE003, lr  }
0x1b: {  	s9 =	sadd.s32 $0xFFFFFEF7, lr;
	s5 =	simm.s32 $0xFFFFFFFF;
	p2 =	slt.u32 s8, $0xFFFFF086  }
0x1c: {  	p1 =	slt.u32 s9, $0xF7A;
	s5 =	simm.s32 @!p2 $0x0  }
0x1d: {  	s5 =	simm.s32 @p1 $0x1;
	p0 =	seq.s32 s7, s2  }
0x1e: {  	s7 =	smul.u32 @!p0 $0xF7A, s2;
	p2 =	seq.s32 @!p0 s5, $0x0  }
0x1f: {  	s9 =	smul.u32 $0xF7A, s1;
	s8 =	simm.s32 @!p0 $0x1BF5;
	p2 =	por !p2, p0  }
0x20: {  	[sflag:s8] =	ssyncset.s32 @!p0 $0xFFFFF086;
	s6 =	sadd.s32 @!p0 s3, s7;
	s7 =	simm.s32 @!p0 $0x108  }
0x21: {  	s3 =	sadd.s32 s3, s9;
	s6 =	sadd.s32 @!p0 $0x88, s6;
	s7 =	simm.s32 @p2 $0x1082  }
0x22: {  	[simem:s7], [sflag:s8] =	dma.local @!p0 [hbm:s6], $0xF7A  }
0x23: {  	s9 =	sor.u32 $0xD0000000, s2;
	s6 =	simm.s32 $0x108;
	_ =	swait.ge @!p0 [sflag:s8], $0x0  }
0x24: {  	s3 =	sadd.s32 $0x88, s3;
	s6 =	simm.s32 @!p1 $0x1082;
	[sflag:s4] =	ssyncset.s32 $0xFFFFF086  }
0x25: {  	[simem:s6], [sflag:s4] =	dma.local [hbm:s3], $0xF7A  }
0x26: {  	[smem:$0x3F99] =	sst s1;
	(tag) =	ssettag s2;
	_ =	strace s9  }
0x27: {  	s1 =	sld [smem:$0x3FA9]  }
0x28: {  	s2 =	sld [smem:$0x3FAA]  }
0x29: {  	s4 =	sld [smem:$0x3FAC]  }
0x2a: {  	p0 =	seq.s32 s5, $0x0;
	s5 =	sld [smem:$0x3FAD]  }
0x2b: {  	s6 =	sld [smem:$0x3FAE]  }
0x2c: {  	s7 =	sld [smem:$0x3FAF]  }
0x2d: {  	s3 =	simm.s32 $0x108;
	s8 =	sld [smem:$0x3FB0]  }
0x2e: {  	s3 =	simm.s32 @!p0 $0x1082;
	s9 =	sld [smem:$0x3FB1]  }
0x2f: {  	lr =	sadd.s32 s0, s3;
	s0 =	sld [smem:$0x3FA8]  }
0x30: {  	s3 =	sld [smem:$0x3FAB]  }
0x31: {  	[smem:$0x3FB4] =	sst s10  }
0x32: {  	s10 =	sld [smem:$0x3FB2];
	_ =	sdelay $0x3  }
0x33: {  	p0 =	seq.s32 s10, $0x1;
	s10 =	sld [smem:$0x3FB4];
	_ =	sdelay $0x3  }
0x34: {  	[smem:$0x3FB4] =	sst s10  }
0x35: {  	s10 =	sld [smem:$0x3FB3];
	_ =	sdelay $0x3  }
0x36: {  	p1 =	seq.s32 s10, $0x1;
	s10 =	sld [smem:$0x3FB4];
	_ =	sdelay $0x3  }
0x37: {  	[smem:$0x3FB4] =	sst s10  }
0x38: {  	s10 =	sld [smem:$0x3FB5]  }
0x39: {  	_ = 	snop;
	(pc) =	sbr.ind lr, $3  }
0x3a: {  	_ = 	snop  }
0x3b: {  	_ = 	snop  }
0x3c: {  	p2 =	seq.s32 s10, $0x1;
	s10 =	sld [smem:$0x3FB4]  }
0x3d: {  	_ =	shalt  }
0x3e: {  	_ =	shalt  }
0x3f: {  	_ =	shalt  }
0x40: {  	_ =	shalt  }
0x41: {  	_ =	shalt  }
0x42: {  	_ =	shalt  }
0x43: {  	_ =	shalt  }
0x44: {  	_ =	shalt  }
0x45: {  	_ =	shalt  }
0x46: {  	_ =	shalt  }
0x47: {  	_ =	shalt  }
0x48: {  	_ =	shalt  }
0x49: {  	_ =	shalt  }
0x4a: {  	_ =	shalt  }
0x4b: {  	_ =	shalt  }
0x4c: {  	_ =	shalt  }
0x4d: {  	_ =	shalt  }
0x4e: {  	_ =	shalt  }
0x4f: {  	_ =	shalt  }
0x50: {  	_ =	shalt  }
0x51: {  	_ =	shalt  }
0x52: {  	_ =	shalt  }
0x53: {  	_ =	shalt  }
0x54: {  	_ =	shalt  }
0x55: {  	_ =	shalt  }
0x56: {  	_ =	shalt  }
0x57: {  	_ =	shalt  }
0x58: {  	_ =	shalt  }
0x59: {  	_ =	shalt  }
0x5a: {  	_ =	shalt  }
0x5b: {  	_ =	shalt  }
0x5c: {  	_ =	shalt  }
0x5d: {  	_ =	shalt  }
0x5e: {  	_ =	shalt  }
0x5f: {  	_ =	shalt  }
0x60: {  	_ =	shalt  }
0x61: {  	_ =	shalt  }
0x62: {  	_ =	shalt  }
0x63: {  	_ =	shalt  }
0x64: {  	_ =	shalt  }
0x65: {  	_ =	shalt  }
0x66: {  	_ =	shalt  }
0x67: {  	_ =	shalt  }
0x68: {  	_ =	shalt  }
0x69: {  	_ =	shalt  }
0x6a: {  	_ =	shalt  }
0x6b: {  	_ =	shalt  }
0x6c: {  	_ =	shalt  }
0x6d: {  	_ =	shalt  }
0x6e: {  	_ =	shalt  }
0x6f: {  	_ =	shalt  }
0x70: {  	_ =	shalt  }
0x71: {  	_ =	shalt  }
0x72: {  	_ =	shalt  }
0x73: {  	_ =	shalt  }
0x74: {  	_ =	shalt  }
0x75: {  	_ =	shalt  }
0x76: {  	_ =	shalt  }
0x77: {  	_ =	shalt  }
0x78: {  	_ =	shalt  }
0x79: {  	_ =	shalt  }
0x7a: {  	_ =	shalt  }
0x7b: {  	_ =	shalt  }
0x7c: {  	_ =	shalt  }
0x7d: {  	_ =	shalt  }
0x7e: {  	_ =	shalt  }
0x7f: {  	_ =	shalt  }
0x80: {  	_ =	shalt  }
0x81: {  	_ =	shalt  }
0x82: {  	_ =	shalt  }
0x83: {  	_ =	shalt  }
0x84: {  	_ =	shalt  }
0x85: {  	_ =	shalt  }
0x86: {  	_ =	shalt  }
0x87: {  	_ =	shalt  }
.Lfunc_end0:
.L_simem_size_0:
called_computation_lowered:
.L_overlay_start_0:
0x88: {  	s2 =	sld [smem:$0x3FD9]  }
0x89: {  	s3 =	sld [smem:$0x3FFE];
	_ =	sdelay $0x1  }
0x8a: {  	s1 =	srdreg.scid  }
0x8b: {  	s0 =	sand.u32 $0x1, s1  }
0x8c: {  	s17 =	sshll.u32 s0, $0xA;
	s2 =	sadd.s32 s3, s2  }
0x8d: {  	s2 =	sadd.s32 s2, s17  }
0x8e: {  	[smem:$0x3FC0] =	sst s2  }
0x8f: {  	_ = 	snop  }
0x90: {  	s2 =	sld [smem:$0x3FC8]  }
0x91: {  	s18 =	sld [smem:$0x3FD0];
	(tm) =	ssettm $0x1  }
0x92: {  	s4 =	sld [smem:$0x3FFB];
	_ =	sdelay $0x3  }
0x93: {  	_ =	strace s4  }
0x94: {  	s4 =	sld [smem:$0x3FFC];
	_ =	sdelay $0x3  }
0x95: {  	_ =	strace s4  }
0x96: {  	s4 =	sld [smem:$0x3FFD];
	_ =	sdelay $0x3  }
0x97: {  	_ =	strace s4  }
0x98: {  	_ =	strace $0x8FFFFFFF  }
0x99: {  	s19 =	sld [smem:$0x3FDB];
	_ =	sdelay $0x1  }
0x9a: {  	s5 =	simm.s32 $_scs_section_size  }
0x9b: {  	s6 =	simm.s32 $_size__tile_overlayer_lowered;
	s7 =	simm.s32 $_tile_overlayer_lowered  }
0x9c: {  	s22 =	simm.s32 $0x1BFF;
	s21 =	sshll.u32 s7, $0x1;
	s4 =	sadd.s32 s5, s19  }
0x9d: {  	s8 =	simm.s32 $0x0;
	s20 =	sshll.u32 s6, $0x1;
	s6 =	sadd.s32 s21, s4  }
0x9e: {  	[timem:s8], [sflag:s22] =	dma.local [hbm:s6], s20  }
0x9f: {  	_ =	swait.ge [sflag:s22], s20  }
0xa0: {  	s5 =	ssub.s32 $0x0, s20;
	[sflag:s22] =	ssyncset.done $0x0  }
0xa1: {  	[sflag:s22] =	ssyncadd.s32 s5;
	_ =	sdelay $0x1  }
0xa2: {  	s23 =	simm.s32 $0x1B8B  }
0xa3: {  	_ =	swait.ge [sflag:s23], $0x1  }
0xa4: {  	[sflag:s23] =	ssyncset.done $0x0  }
0xa5: {  	s25 =	simm.s32 $0x1B8E;
	s24 =	sld [smem:$0x3FFE];
	[sflag:s23] =	ssyncadd.s32 $0xFFFFFFFF  }
0xa6: {  	s26 =	simm.s32 $execute0_lowered;
	[smem:$0x3FD2] =	sst s25  }
0xa7: {  	s6 =	sshll.u32 s26, $0x1;
	_ =	strace $0x80000046;
	[dreg:$0x1] =	wrdreg $0xFFFFFFFF  }
0xa8: {  	s28 =	simm.s32 $_size_execute0_lowered;
	s4 =	sadd.s32 s4, s6;
	[dreg:$0x0] =	wrdreg $0x0  }
0xa9: {  	s6 =	sshll.u32 s28, $0x1;
	[dreg:$0x2] =	wrdreg s4  }
0xaa: {  	[dreg:$0x3] =	wrdreg s6  }
0xab: {  	[dreg:$0x4] =	wrdreg $0xC0  }
0xac: {  	_ =	task [dreg:s8], $0x5FFFF  }
0xad: {  	[dreg:$0x1] =	wrdreg $0xFFFFFFFF  }
0xae: {  	[dreg:$0x0] =	wrdreg $0x60  }
0xaf: {  	[dreg:$0x2] =	wrdreg s18  }
0xb0: {  	[dreg:$0x3] =	wrdreg s24  }
0xb1: {  	[dreg:$0x4] =	wrdreg s2  }
0xb2: {  	[dreg:$0x5] =	wrdreg $0x125000  }
0xb3: {  	[dreg:$0x6] =	wrdreg $0x1C5000  }
0xb4: {  	[dreg:$0x7] =	wrdreg $0x9  }
0xb5: {  	_ =	task.clear_ibuf [dreg:s8], $0x8FFFF;
	_ =	strace $0x90000046  }
0xb6: {  	s29 =	simm.s32 $0x9;
	_ =	strace $0x80000048  }
0xb7: {  	_ =	swait.ge [sflag:s29], $0x1  }
0xb8: {  	[sflag:s29] =	ssyncadd.s32 $0xFFFFFFFF  }
0xb9: {  	_ =	strace $0x90000048  }
0xba: {  	_ =	sfence  }
0xbb: {  	s30 =	sld [smem:$0x0];
	_ =	sdelay $0x2  }
0xbc: {  	s31 =	sshll.u32 s1, $0xD;
	s1 =	sshrl.u32 s1, $0x2  }
0xbd: {  	s3 =	sand.u32 $0x4000, s31;
	s1 =	sadd.s32 s1, s30  }
0xbe: {  	s0 =	sor.u32 s3, s0;
	s1 =	sshll.u32 s1, $0x11  }
0xbf: {  	s0 =	sor.u32 s1, s0  }
0xc0: {  	s0 =	sadd.s32 $0x8F2B, s0  }
0xc1: {  	[sflag:s0] =	ssyncadd.remote.s32 $0x1  }
0xc2: {  	_ =	sfence.sel $0xFFFF  }
0xc3: {  	[dreg:$0x0] =	wrdreg $0xFFFFFFFF;
	(pc) =	sbr.abs _section_cstart, $3  }
0xc4: {  	[dreg:$0x1] =	wrdreg $0xFFFFFFFF  }
0xc5: {  	_ =	task.clear_ibuf [dreg:s8], $0x2FFFF;
	_ =	strace $0x9FFFFFFF  }
0xc6: {  	(tm) =	ssettm $0x7FFFFFFF  }
0xc7: {  	_ =	shalt  }
tec
execute0_lowered:
.L_overlay_start_1:
0x0: {  	(tag) =	ssettag $0x1  }
0x1: {  	s0 =	rddreg [dreg:$0x0]  }
0x2: {  	s1 =	rddreg [dreg:$0x1]  }
0x3: {  	s8 =	rddreg [dreg:$0x2];
	s13 =	stileid.u32  }
0x4: {  	s2 =	rddreg [dreg:$0x3];
	s9 =	smul.u32 $0x9D0, s13  }
0x5: {  	s4 =	srdreg.scid;
	s7 =	smul.u32 $0xC800, s13  }
0x6: {  	s3 =	rddreg [dreg:$0x4];
	s10 =	smul.u32 $0x280, s13  }
0x7: {  	s5 =	simm.s32 $0x0;
	s4 =	sand.u32 $0x1, s4;
	s11 =	smul.u32 $0x28000, s13  }
0x8: {  	[smem:$0x7FF] =	sst s5;
	s13 =	smul.u32 $0xA000, s13;
	s26 =	ssub.s32 $0x2, s4  }
0x9: {  	s6 =	smul.u32 $0xC8000, s4;
	_ =	strace $0x80000047;
	s12 =	sshrl.u32 s26, $0x1  }
0xa: {  	s14 =	sadd.s32 s9, s1;
	s11 =	sshrl.u32 s11, $0x2;
	s13 =	sshrl.u32 s13, $0x2  }
0xb: {  	s15 =	sor.u32 $0x40, s10;
	s17 =	sadd.s32 $0x80, s10;
	s20 =	sadd.s32 $0xC0, s10  }
0xc: {  	s24 =	sadd.s32 $0x140, s10;
	s0 =	sadd.s32 s0, s9;
	s9 =	simm.s32 $0x12100  }
0xd: {  	s6 =	sadd.s32 s7, s6;
	s12 =	ssub.s32 s26, s12;
	s7 =	sadd.s32 s13, s3  }
0xe: {  	s16 =	sshll.u32 s15, $0x6;
	s18 =	sshll.u32 s17, $0x6;
	s21 =	sshll.u32 s20, $0x6  }
0xf: {  	s25 =	sshll.u32 s24, $0x6;
	[dreg:$0x10] =	wrdreg s0;
	s29 =	sadd.s32 $0x1000, s14  }
0x10: {  	s14 =	simm.s32 $0xA;
	s6 =	sshrl.u32 s6, $0x3;
	s13 =	sadd.s32 s16, s2  }
0x11: {  	s1 =	sadd.s32 s6, s1;
	s6 =	sadd.s32 s11, s2;
	[dreg:$0x6] =	wrdreg s13  }
0x12: {  	s11 =	sshll.u32 s15, $0x4;
	s13 =	sshll.u32 s17, $0x4;
	s15 =	sadd.s32 $0x100, s10  }
0x13: {  	s17 =	sadd.s32 $0x1C0, s10;
	s11 =	sadd.s32 s11, s3;
	s19 =	sadd.s32 s13, s3  }
0x14: {  	s13 =	sadd.s32 s21, s2;
	s22 =	sshll.u32 s15, $0x6;
	s23 =	sshll.u32 s15, $0x4  }
0x15: {  	s15 =	sadd.s32 $0x180, s10;
	s21 =	sadd.s32 $0x200, s10;
	s30 =	sadd.s32 $0xAE00, s1  }
0x16: {  	s31 =	sadd.s32 $0xAE08, s1;
	s1 =	smax.u32 s12, $0x1;
	[dreg:$0x7] =	wrdreg s11  }
0x17: {  	s12 =	simm.s32 $0x2;
	s11 =	sadd.s32 s18, s2;
	[dreg:$0x9] =	wrdreg s19  }
0x18: {  	[dreg:$0xa] =	wrdreg s13;
	s13 =	sshll.u32 s24, $0x4;
	s16 =	sshll.u32 s15, $0x6  }
0x19: {  	s0 =	sshll.u32 s15, $0x4;
	s18 =	sshll.u32 s17, $0x6;
	[dreg:$0x8] =	wrdreg s11  }
0x1a: {  	s11 =	sshll.u32 s20, $0x4;
	s26 =	sadd.s32 s13, s3;
	s13 =	sshll.u32 s4, $0x3  }
0x1b: {  	s0 =	sadd.s32 s0, s3;
	s20 =	sshll.u32 s17, $0x4;
	[dreg:$0xf] =	wrdreg s26  }
0x1c: {  	s11 =	sadd.s32 s11, s3;
	s19 =	sadd.s32 s8, s13;
	[dreg:$0x12] =	wrdreg s0  }
0x1d: {  	s8 =	sadd.s32 s16, s2;
	s0 =	sadd.s32 s18, s2;
	[dreg:$0xb] =	wrdreg s11  }
0x1e: {  	s13 =	simm.s32 $0x3;
	s11 =	sadd.s32 s22, s2;
	[dreg:$0x11] =	wrdreg s8  }
0x1f: {  	[dreg:$0x13] =	wrdreg s0;
	s22 =	sadd.s32 $0x240, s10;
	s8 =	sshll.u32 s21, $0x4  }
0x20: {  	s10 =	simm.s32 $0x1;
	[dreg:$0xc] =	wrdreg s11;
	s11 =	sadd.s32 s23, s3  }
.Ltmp0:
0x21: {  	s23 =	sadd.s32 s20, s3;
	s26 =	sshll.u32 s22, $0x6;
	(pc) =	sbr.rel .LBB2_1-.Ltmp0, $4  }
0x22: {  	s0 =	sshll.u32 s22, $0x4;
	[dreg:$0xd] =	wrdreg s11;
	s11 =	sadd.s32 s25, s2  }
0x23: {  	s25 =	sshll.u32 s21, $0x6;
	s26 =	sadd.s32 s26, s2;
	s28 =	sadd.s32 s0, s3  }
0x24: {  	s0 =	simm.s32 $0x9D00;
	[dreg:$0xe] =	wrdreg s11;
	s24 =	sadd.s32 s25, s2  }
0x25: {  	v0 =	vimm.f32 $0.0e+00;
	v1 =	vimm.f32 $1.000000000e+00;
	s25 =	sadd.s32 s8, s3;
	s8 =	simm.s32 $0x4;
	s11 =	simm.s32 $0x40  }
.LBB2_7:
0x26: {  	_ =	swait.ge [sflag:s12], $0x1000  }
0x27: {  	[sflag:s12] =	ssyncset.done $0x0  }
0x28: {  	[sflag:s12] =	ssyncadd.s32 $0xFFFFF000  }
0x29: {  	_ =	swait.ge [sflag:s12], $0x1000  }
0x2a: {  	[sflag:s12] =	ssyncset.done $0x0  }
0x2b: {  	[sflag:s12] =	ssyncadd.s32 $0xFFFFF000  }
0x2c: {  	_ =	swait.ge [sflag:s12], $0x1000  }
0x2d: {  	[sflag:s12] =	ssyncset.done $0x0  }
0x2e: {  	[sflag:s12] =	ssyncadd.s32 $0xFFFFF000  }
0x2f: {  	_ =	swait.ge [sflag:s12], $0x1000  }
0x30: {  	[sflag:s12] =	ssyncset.done $0x0  }
0x31: {  	[sflag:s12] =	ssyncadd.s32 $0xFFFFF000  }
0x32: {  	_ =	swait.ge [sflag:s12], $0x1000  }
0x33: {  	[sflag:s12] =	ssyncset.done $0x0  }
0x34: {  	[sflag:s12] =	ssyncadd.s32 $0xFFFFF000  }
0x35: {  	_ =	swait.ge [sflag:s12], $0x1000  }
0x36: {  	[sflag:s12] =	ssyncset.done $0x0  }
0x37: {  	[sflag:s12] =	ssyncadd.s32 $0xFFFFF000  }
0x38: {  	_ =	swait.ge [sflag:s12], $0x1000  }
0x39: {  	[sflag:s12] =	ssyncset.done $0x0  }
0x3a: {  	[sflag:s12] =	ssyncadd.s32 $0xFFFFF000  }
0x3b: {  	_ =	swait.ge [sflag:s12], $0x1000  }
0x3c: {  	[sflag:s12] =	ssyncset.done $0x0  }
0x3d: {  	[sflag:s12] =	ssyncadd.s32 $0xFFFFF000  }
0x3e: {  	_ =	swait.ge [sflag:s13], $0x400  }
0x3f: {  	s15 =	stileid.u32;
	[sflag:s13] =	ssyncset.done $0x0  }
0x40: {  	s16 =	sshrl.u32 s6, $0x3;
	s15 =	sshll.u32 s15, $0x6;
	[sflag:s13] =	ssyncadd.s32 $0xFFFFFC00  }
0x41: {  	s17 =	simm.s32 $0x8;
	s15 =	sor.u32 $0x1C04, s15;
	[bflag:$0x0] =	sbarrier.arrive $0xFFFF  }
0x42: {  	[hbm:s30@s14], [sflag:s15] =	dma.strided [spmem:s16@s17], $0x1400, s10, $0x8   }
0x43: {  	s5 =	sadd.s32 $0x1, s5;
	_ =	swait.ge [sflag:s8], $0x1400  }
0x44: {  	p0 =	sne.s32 s5, s1;
	[sflag:s8] =	ssyncset.done $0x0  }
.Ltmp1:
0x45: {  	s22 =	sshrl.u32 s7, $0x3;
	[sflag:s8] =	ssyncadd.s32 $0xFFFFEC00;
	(pc) =	sbr.rel @!p0 .LBB2_8-.Ltmp1, $4  }
0x46: {  	[hbm:s31@s14], [sflag:s15] =	dma.strided [spmem:s22@s12], $0x500, s10, $0x2   }
0x47: {  	_ =	swait.ge [sflag:s8], $0x500  }
0x48: {  	[sflag:s8] =	ssyncset.done $0x0  }
0x49: {  	[sflag:s8] =	ssyncadd.s32 $0xFFFFFB00  }
.LBB2_1:
0x4a: {  	s15 =	simm.s32 $0x9D20  }
0x4b: {  	[tilespmem:s15+$0xFFFFFFE0] =	vst v0  }
0x4c: {  	[tilespmem:s15+$0x10] =	vst v0  }
0x4d: {  	[tilespmem:s15+$0x0] =	vst v0  }
0x4e: {  	s16 =	simm.s32 $0x40;
	s17 =	simm.s32 $0x0;
	[tilespmem:s15+$0xFFFFFFF0] =	vst v0  }
.LBB2_2:
0x4f: {  	p0 =	sne.s32 s16, $0xFC0  }
0x50: {  	[tilespmem:s17+$0x11D00] =	vst v1;
	s15 =	sadd.s32 $0x40, s15;
	s18 =	smov.u32 s16;
	s16 =	sadd.s32 $0x40, s16  }
.Ltmp2:
0x51: {  	[tilespmem:s17+$0x12100] =	vst v0;
	(pc) =	sbr.rel @p0 .LBB2_2-.Ltmp2, $4  }
0x52: {  	[tilespmem:s15+$0xFFFFFFE0] =	vst v0  }
0x53: {  	[tilespmem:s15+$0x10] =	vst v0  }
0x54: {  	[tilespmem:s15+$0x0] =	vst v0  }
0x55: {  	s17 =	sshra.s32 s18, $0x2;
	[tilespmem:s15+$0xFFFFFFF0] =	vst v0  }
0x56: {  	[tilespmem:s17+$0x11D00] =	vst v1  }
0x57: {  	[tilespmem:s17+$0x12100] =	vst v0  }
0x58: {  	[spmem:s6] =	stream.linear.scatter [tilespmem:s0], [sflag:$0x4], $0x1000, $0x38;
	[tilespmem:$0x1ED00] =	vst v63  }
0x59: {  	_ =	swait.ge [sflag:s8], $0x1000  }
0x5a: {  	[sflag:s8] =	ssyncset.done $0x0  }
0x5b: {  	[sflag:s8] =	ssyncadd.s32 $0xFFFFF000  }
0x5c: {  	[spmem:s7] =	stream.linear.scatter [tilespmem:s9], [sflag:$0x4], $0x400, $0x38;
	[tilespmem:$0x1ED00] =	vst v63  }
0x5d: {  	_ =	swait.ge [sflag:s8], $0x400  }
0x5e: {  	[sflag:s8] =	ssyncset.done $0x0  }
0x5f: {  	s15 =	rddreg [dreg:$0x6];
	[sflag:s8] =	ssyncadd.s32 $0xFFFFFC00  }
0x60: {  	[spmem:s15] =	stream.linear.scatter [tilespmem:s0], [sflag:$0x4], $0x1000, $0x38;
	[tilespmem:$0x1ED00] =	vst v63  }
0x61: {  	_ =	swait.ge [sflag:s8], $0x1000  }
0x62: {  	[sflag:s8] =	ssyncset.done $0x0  }
0x63: {  	s22 =	rddreg [dreg:$0x7];
	[sflag:s8] =	ssyncadd.s32 $0xFFFFF000  }
0x64: {  	[spmem:s22] =	stream.linear.scatter [tilespmem:s9], [sflag:$0x4], $0x400, $0x38;
	[tilespmem:$0x1ED00] =	vst v63  }
0x65: {  	_ =	swait.ge [sflag:s8], $0x400  }
0x66: {  	[sflag:s8] =	ssyncset.done $0x0  }
0x67: {  	s16 =	rddreg [dreg:$0x8];
	[sflag:s8] =	ssyncadd.s32 $0xFFFFFC00  }
0x68: {  	[spmem:s16] =	stream.linear.scatter [tilespmem:s0], [sflag:$0x4], $0x1000, $0x38;
	[tilespmem:$0x1ED00] =	vst v63  }
0x69: {  	_ =	swait.ge [sflag:s8], $0x1000  }
0x6a: {  	[sflag:s8] =	ssyncset.done $0x0  }
0x6b: {  	s17 =	rddreg [dreg:$0x9];
	[sflag:s8] =	ssyncadd.s32 $0xFFFFF000  }
0x6c: {  	[spmem:s17] =	stream.linear.scatter [tilespmem:s9], [sflag:$0x4], $0x400, $0x38;
	[tilespmem:$0x1ED00] =	vst v63  }
0x6d: {  	_ =	swait.ge [sflag:s8], $0x400  }
0x6e: {  	[sflag:s8] =	ssyncset.done $0x0  }
0x6f: {  	s18 =	rddreg [dreg:$0xa];
	[sflag:s8] =	ssyncadd.s32 $0xFFFFFC00  }
0x70: {  	[spmem:s18] =	stream.linear.scatter [tilespmem:s0], [sflag:$0x4], $0x1000, $0x38;
	[tilespmem:$0x1ED00] =	vst v63  }
0x71: {  	_ =	swait.ge [sflag:s8], $0x1000  }
0x72: {  	[sflag:s8] =	ssyncset.done $0x0  }
0x73: {  	s20 =	rddreg [dreg:$0xb];
	[sflag:s8] =	ssyncadd.s32 $0xFFFFF000  }
0x74: {  	[spmem:s20] =	stream.linear.scatter [tilespmem:s9], [sflag:$0x4], $0x400, $0x38;
	[tilespmem:$0x1ED00] =	vst v63  }
0x75: {  	_ =	swait.ge [sflag:s8], $0x400  }
0x76: {  	[sflag:s8] =	ssyncset.done $0x0  }
0x77: {  	s21 =	rddreg [dreg:$0xc];
	[sflag:s8] =	ssyncadd.s32 $0xFFFFFC00  }
0x78: {  	[spmem:s21] =	stream.linear.scatter [tilespmem:s0], [sflag:$0x4], $0x1000, $0x38;
	[tilespmem:$0x1ED00] =	vst v63  }
0x79: {  	_ =	swait.ge [sflag:s8], $0x1000  }
0x7a: {  	[sflag:s8] =	ssyncset.done $0x0  }
0x7b: {  	s22 =	rddreg [dreg:$0xd];
	[sflag:s8] =	ssyncadd.s32 $0xFFFFF000  }
0x7c: {  	[spmem:s22] =	stream.linear.scatter [tilespmem:s9], [sflag:$0x4], $0x400, $0x38;
	[tilespmem:$0x1ED00] =	vst v63  }
0x7d: {  	_ =	swait.ge [sflag:s8], $0x400  }
0x7e: {  	[sflag:s8] =	ssyncset.done $0x0  }
0x7f: {  	s16 =	rddreg [dreg:$0xe];
	[sflag:s8] =	ssyncadd.s32 $0xFFFFFC00  }
0x80: {  	[spmem:s16] =	stream.linear.scatter [tilespmem:s0], [sflag:$0x4], $0x1000, $0x38;
	[tilespmem:$0x1ED00] =	vst v63  }
0x81: {  	_ =	swait.ge [sflag:s8], $0x1000  }
0x82: {  	[sflag:s8] =	ssyncset.done $0x0  }
0x83: {  	s17 =	rddreg [dreg:$0xf];
	[sflag:s8] =	ssyncadd.s32 $0xFFFFF000  }
0x84: {  	[spmem:s17] =	stream.linear.scatter [tilespmem:s9], [sflag:$0x4], $0x400, $0x38;
	[tilespmem:$0x1ED00] =	vst v63  }
0x85: {  	_ =	swait.ge [sflag:s8], $0x400  }
0x86: {  	[sflag:s8] =	ssyncset.done $0x0  }
0x87: {  	s18 =	rddreg [dreg:$0x11];
	[sflag:s8] =	ssyncadd.s32 $0xFFFFFC00  }
0x88: {  	[spmem:s18] =	stream.linear.scatter [tilespmem:s0], [sflag:$0x4], $0x1000, $0x38;
	[tilespmem:$0x1ED00] =	vst v63  }
0x89: {  	_ =	swait.ge [sflag:s8], $0x1000  }
0x8a: {  	[sflag:s8] =	ssyncset.done $0x0  }
0x8b: {  	s20 =	rddreg [dreg:$0x12];
	[sflag:s8] =	ssyncadd.s32 $0xFFFFF000  }
0x8c: {  	[spmem:s20] =	stream.linear.scatter [tilespmem:s9], [sflag:$0x4], $0x400, $0x38;
	[tilespmem:$0x1ED00] =	vst v63  }
0x8d: {  	_ =	swait.ge [sflag:s8], $0x400  }
0x8e: {  	[sflag:s8] =	ssyncset.done $0x0  }
0x8f: {  	s21 =	rddreg [dreg:$0x13];
	[sflag:s8] =	ssyncadd.s32 $0xFFFFFC00  }
0x90: {  	[spmem:s21] =	stream.linear.scatter [tilespmem:s0], [sflag:$0x4], $0x1000, $0x38;
	[tilespmem:$0x1ED00] =	vst v63  }
0x91: {  	_ =	swait.ge [sflag:s8], $0x1000  }
0x92: {  	[sflag:s8] =	ssyncset.done $0x0  }
0x93: {  	[sflag:s8] =	ssyncadd.s32 $0xFFFFF000  }
0x94: {  	[spmem:s23] =	stream.linear.scatter [tilespmem:s9], [sflag:$0x4], $0x400, $0x38;
	[tilespmem:$0x1ED00] =	vst v63  }
0x95: {  	_ =	swait.ge [sflag:s8], $0x400  }
0x96: {  	[sflag:s8] =	ssyncset.done $0x0  }
0x97: {  	[sflag:s8] =	ssyncadd.s32 $0xFFFFFC00  }
0x98: {  	[spmem:s24] =	stream.linear.scatter [tilespmem:s0], [sflag:$0x4], $0x1000, $0x38;
	[tilespmem:$0x1ED00] =	vst v63  }
0x99: {  	_ =	swait.ge [sflag:s8], $0x1000  }
0x9a: {  	[sflag:s8] =	ssyncset.done $0x0  }
0x9b: {  	[sflag:s8] =	ssyncadd.s32 $0xFFFFF000  }
0x9c: {  	[spmem:s25] =	stream.linear.scatter [tilespmem:s9], [sflag:$0x4], $0x400, $0x38;
	[tilespmem:$0x1ED00] =	vst v63  }
0x9d: {  	_ =	swait.ge [sflag:s8], $0x400  }
0x9e: {  	[sflag:s8] =	ssyncset.done $0x0  }
0x9f: {  	[sflag:s8] =	ssyncadd.s32 $0xFFFFFC00  }
0xa0: {  	[spmem:s26] =	stream.linear.scatter [tilespmem:s0], [sflag:$0x4], $0x1000, $0x38;
	[tilespmem:$0x1ED00] =	vst v63  }
0xa1: {  	_ =	swait.ge [sflag:s8], $0x1000  }
0xa2: {  	[sflag:s8] =	ssyncset.done $0x0  }
0xa3: {  	[sflag:s8] =	ssyncadd.s32 $0xFFFFF000  }
0xa4: {  	[spmem:s28] =	stream.linear.scatter [tilespmem:s9], [sflag:$0x4], $0x400, $0x38;
	[tilespmem:$0x1ED00] =	vst v63  }
0xa5: {  	_ =	swait.ge [sflag:s8], $0x400  }
0xa6: {  	[sflag:s8] =	ssyncset.done $0x0  }
0xa7: {  	[sflag:s8] =	ssyncadd.s32 $0xFFFFFC00  }
0xa8: {  	[bflag:$0x0] =	sbarrier.arrive $0xFFFF  }
0xa9: {  	s15 =	simm.s32 $0x0;
	s16 =	rddreg [dreg:$0x10]  }
0xaa: {  	[tilespmem:s15], [sflag:$0x4] =	stream.linear.gather [hbm4b:s16+s15], $0x4E80, $0x38;
	[tilespmem:$0x1ED00] =	vst v63  }
0xab: {  	_ =	swait.ge [sflag:s8], $0x4E80  }
0xac: {  	[sflag:s8] =	ssyncset.done $0x0  }
.Ltmp3:
0xad: {  	s22 =	simm.s32 $0x4E80;
	[sflag:s8] =	ssyncadd.s32 $0xFFFFB180;
	(pc) =	sbr.rel .LBB2_4-.Ltmp3, $4  }
0xae: {  	[tilespmem:s22], [sflag:$0x4] =	stream.linear.gather [hbm4b:s29+s15], $0x4E80, $0x38;
	[tilespmem:$0x1ED00] =	vst v63  }
0xaf: {  	_ =	swait.ge [sflag:s8], $0x4E80  }
0xb0: {  	s17 =	simm.s32 $0x4D80;
	s18 =	simm.s32 $0x0;
	[sflag:s8] =	ssyncset.done $0x0  }
0xb1: {  	s20 =	simm.s32 $0x0;
	s16 =	simm.s32 $0xFFFFC000;
	[sflag:s8] =	ssyncadd.s32 $0xFFFFB180  }
.LBB2_6:
0xb2: {  	s20 =	sadd.s32 $0x1, s20  }
0xb3: {  	p0 =	sne.s32 s20, $0x13E  }
.Ltmp4:
0xb4: {  	_ = 	snop;
	(pc) =	sbr.rel @!p0 .LBB2_7-.Ltmp4, $3  }
0xb5: {  	_ =	sdelay $0x1  }
0xb6: {  	s18 =	sadd.s32 $0x40, s18  }
0xb7: {  	s15 =	sadd.s32 $0x4000, s15;
	s16 =	sadd.s32 $0x1000, s16;
	s17 =	sadd.s32 $0x40, s17  }
.LBB2_4:
0xb8: {  	p0 =	sgt.u32 s20, $0x139  }
0xb9: {  	p1 =	slt.u32 @!p0 s20, $0x8  }
0xba: {  	p1 =	por p1, p0  }
0xbb: {  	s21 =	simm.s32 @!p1 $0x2  }
0xbc: {  	_ =	swait.ge @!p1 [sflag:s21], $0x1000  }
0xbd: {  	s22 =	sand.u32 @!p0 $0x1C000, s15;
	[sflag:s21] =	ssyncset.done @!p1 $0x0  }
0xbe: {  	s22 =	sshrl.u32 @!p0 s22, $0x2;
	[sflag:s21] =	ssyncadd.s32 @!p1 $0xFFFFF000  }
0xbf: {  	s21 =	sadd.s32 @!p0 $0x9D00, s22;
	s22 =	simm.s32 @!p0 $0x40;
	p1 =	slt.u32 @!p0 s20, $0x4  }
0xc0: {  	[tilespmem:s21], [sflag:$0x1] =	stream.indirect.gather @!p0 [hbm4b:s19+s22], $0x40, s18, s22, $0xb8;
	[tilespmem:$0x1ED00] =	vst v63  }
0xc1: {  	p0 =	por p0, !p1  }
.Ltmp5:
0xc2: {  	_ = 	snop;
	(pc) =	sbr.rel @!p0 .LBB2_6-.Ltmp5, $1  }
0xc3: {  	_ =	sdelay $0x3  }
0xc4: {  	_ =	swait.ge [sflag:s10], $0x1000;
	s22 =	sand.u32 $0x1, s20  }
0xc5: {  	s21 =	sand.u32 $0x7000, s16;
	[sflag:s10] =	ssyncset.done $0x0;
	p0 =	sne.s32 s4, s22  }
0xc6: {  	s21 =	sadd.s32 $0x9D00, s21;
	[sflag:s10] =	ssyncadd.s32 $0xFFFFF000;
	p1 =	slt.u32 @!p0 s20, $0x6  }
0xc7: {  	[spmem:s2] =	stream.indirect.scatter.add.f32 [tilespmem:s21], [sflag:$0x2], $0x40, s17, s11, $0xb8;
	[tilespmem:$0x1ED00] =	vst v63  }
0xc8: {  	p1 =	por p1, p0  }
.Ltmp6:
0xc9: {  	s21 =	simm.s32 @!p1 $0x3;
	(pc) =	sbr.rel .LBB2_6-.Ltmp6, $4  }
0xca: {  	_ =	swait.ge @!p1 [sflag:s21], $0x400  }
0xcb: {  	[sflag:s21] =	ssyncset.done @!p1 $0x0  }
0xcc: {  	s22 =	simm.s32 @!p0 $0x11D00;
	[sflag:s21] =	ssyncadd.s32 @!p1 $0xFFFFFC00;
	s21 =	simm.s32 @!p0 $0x40  }
0xcd: {  	[spmem:s3] =	stream.indirect.scatter.add.f32 @!p0 [tilespmem:s22], [sflag:$0x3], $0x10, s17, s21, $0xb8;
	[tilespmem:$0x1ED00] =	vst v63  }
.LBB2_8:
0xce: {  	_ =	sfence.sel $0x180000  }
0xcf: {  	[bflag:$0x0] =	sbarrier.arrive $0xFFFF  }
0xd0: {  	_ =	strace $0x90000047  }
0xd1: {  	s0 =	stileid.u32;
	[bflag:$0x2] =	sbarrier.arrive $0xFFFF  }
0xd2: {  	p0 =	sne.s32 s0, $0x0;
	s0 =	rddreg [dreg:$0x5]  }
0xd3: {  	s0 =	sadd.s32 @!p0 $0x100000, s0  }
0xd4: {  	[sflag:s0] =	ssyncadd.tile.s32 @!p0 $0x1;
	_ =	shalt  }
.Lfunc_end2:
_tile_overlayer_lowered:
.L_overlay_start_2:
0xd5: {  	(tag) =	ssettag $0x2  }
0xd6: {  	s0 =	rddreg [dreg:$0x0];
	s2 =	stileid.u32  }
0xd7: {  	s1 =	rddreg [dreg:$0x1];
	p0 =	sne.s32 s2, $0x0  }
0xd8: {  	s3 =	rddreg [dreg:$0x2];
	[bflag:$0x3] =	sbarrier.arrive $0xFFFF;
	s2 =	simm.s32 @!p0 $0x1C04  }
0xd9: {  	[timem:s3], [sflag:s2] =	dma.local @!p0 [hbm:s0], s1  }
0xda: {  	s0 =	simm.s32 @!p0 $0x4  }
0xdb: {  	_ =	swait.ge @!p0 [sflag:s0], s1  }
0xdc: {  	s1 =	ssub.s32 @!p0 $0x0, s1;
	[sflag:s0] =	ssyncset.done @!p0 $0x0  }
0xdd: {  	[sflag:s0] =	ssyncadd.s32 @!p0 s1  }
0xde: {  	[bflag:$0x3] =	sbarrier.arrive $0xFFFF  }
0xdf: {  	_ =	shalt  }

</sc_bundles>
